<compile_context>
chip_gen: v7x
topology: tpu7x:2x2x1
jax: 0.10.2.dev20260603
libtpu: 0.0.44.dev20260713+nightly
codegen_flags: <defaults>
</compile_context>

<pallas_src>
import functools

import jax
import jax.numpy as jnp
import numpy as np
from jax import lax
from jax.experimental import pallas as pl
from jax.experimental.pallas import tpu as pltpu
from jax.experimental.pallas import tpu_sc as plsc

_N = 5000
_NP = 5120
_T = 512
_NT = _NP // _T
_SIGMA = 0.5
_D = 128

_PAIRS = np.array([(a, b) for a in range(_NT) for b in range(a, _NT)],
                  dtype=np.int32).T.copy()
_NUM_TILES = _PAIRS.shape[1]

_SC_INFO = plsc.get_sparse_core_info()
_NW = _SC_INFO.num_cores * _SC_INFO.num_subcores
_BPW = _NP // _NW
_SC_MESH = plsc.VectorSubcoreMesh(core_axis_name="c", subcore_axis_name="s")


@functools.partial(
    pl.kernel, mesh=_SC_MESH,
    out_type=jax.ShapeDtypeStruct((_NP, _D), jnp.float32),
    scratch_types=[
        pltpu.VMEM((_BPW,), jnp.int32),
        pltpu.VMEM((_BPW, _D), jnp.float32),
        pltpu.SemaphoreType.DMA,
    ],
)
def _sc_gather(table_hbm, idx_hbm, out_hbm, idx_v, rows_v, sem):
    wid = lax.axis_index("s") * _SC_INFO.num_cores + lax.axis_index("c")
    base = wid * _BPW
    pltpu.sync_copy(idx_hbm.at[pl.ds(base, _BPW)], idx_v)
    pltpu.async_copy(table_hbm.at[idx_v], rows_v, sem).wait()
    pltpu.sync_copy(rows_v, out_hbm.at[pl.ds(base, _BPW)])


@functools.partial(
    pl.kernel, mesh=_SC_MESH,
    out_type=jax.ShapeDtypeStruct((_NP, _D), jnp.float32),
    scratch_types=[
        pltpu.VMEM((_BPW,), jnp.int32),
        pltpu.VMEM((_BPW, _D), jnp.float32),
        pltpu.SemaphoreType.DMA,
    ],
)
def _sc_scatter(vals_hbm, idx_hbm, out_hbm, idx_v, rows_v, sem):
    wid = lax.axis_index("s") * _SC_INFO.num_cores + lax.axis_index("c")
    base = wid * _BPW
    pltpu.sync_copy(idx_hbm.at[pl.ds(base, _BPW)], idx_v)
    pltpu.sync_copy(vals_hbm.at[pl.ds(base, _BPW)], rows_v)
    pltpu.async_copy(rows_v, out_hbm.at[idx_v], sem).wait()


_NB = 128
_CH = 8


def _rank_kernel(boxes_ref, scores_ref, dest_ref, feats_ref):
    rows = lax.broadcasted_iota(jnp.int32, (_NP, 1), 0)
    isreal = rows < _N
    b = boxes_ref[...]
    cx = jnp.where(isreal, b[:, 0:1], 1e4)
    feats_ref[:, 0:1] = cx
    feats_ref[:, 1:2] = b[:, 1:2]
    feats_ref[:, 2:3] = b[:, 2:3]
    feats_ref[:, 3:4] = b[:, 3:4]
    feats_ref[:, 4:5] = jnp.where(isreal, scores_ref[...], -1.0)

    lanes = lax.broadcasted_iota(jnp.int32, (1, _NB), 1).astype(jnp.float32)
    bins = jnp.clip(jnp.floor(cx * _NB), 0.0, _NB - 1.0)
    oh = (bins == lanes).astype(jnp.float32)

    s = oh
    d = 1
    while d < _NP:
        s = s + jnp.concatenate(
            [jnp.zeros((d, _NB), jnp.float32), s[:-d, :]], axis=0)
        d *= 2
    rank = jnp.sum(oh * (s - oh), axis=1, keepdims=True)

    counts = s[_NP - 1:_NP, :]
    b = counts
    d = 1
    while d < _NB:
        b = b + jnp.concatenate(
            [jnp.zeros((1, d), jnp.float32), b[:, :-d]], axis=1)
        d *= 2
    base = b - counts

    dest = rank + jnp.sum(oh * jnp.broadcast_to(base, (_NP, _NB)),
                          axis=1, keepdims=True)
    dest_ref[...] = dest.astype(jnp.int32)


def _decode_rows(rows):
    cx = rows[:, 0:1] * 100.0
    cy = rows[:, 1:2] * 100.0
    w = rows[:, 2:3] * 10.0 + 1e-3
    h = rows[:, 3:4] * 10.0 + 1e-3
    return (cx - w * 0.5, cx + w * 0.5, cy - h * 0.5, cy + h * 0.5,
            w * h, rows[:, 4:5])


def _decode_cols(cols):
    cx = cols[0:1, :] * 100.0
    cy = cols[1:2, :] * 100.0
    w = cols[2:3, :] * 10.0 + 1e-3
    h = cols[3:4, :] * 10.0 + 1e-3
    return (cx - w * 0.5, cx + w * 0.5, cy - h * 0.5, cy + h * 0.5,
            w * h + 1e-8, cols[4:5, :])


def _tile_kernel(tab_ref, rows_ref, cols_ref, accr_ref, accc_ref,
                 maxx2_ref, minx1_ref):
    t = pl.program_id(0)
    a = tab_ref[0, t]
    b = tab_ref[1, t]

    @pl.when(t == 0)
    def _init():
        accr_ref[...] = jnp.zeros((_NP, 128), jnp.float32)
        accc_ref[...] = jnp.zeros((8, _NP), jnp.float32)
        allr = rows_ref[...]
        cx = allr[:, 0:1] * 100.0
        wd = allr[:, 2:3] * 10.0 + 1e-3
        x1 = cx - wd * 0.5
        x2 = cx + wd * 0.5
        for blk in range(_NT):
            maxx2_ref[blk] = jnp.max(x2[blk * _T:(blk + 1) * _T, 0])
            minx1_ref[blk] = jnp.min(x1[blk * _T:(blk + 1) * _T, 0])

    live = jnp.logical_or(a == b, minx1_ref[b] <= maxx2_ref[a])

    @pl.when(live)
    def _compute():
        rows = rows_ref[pl.ds(a * _T, _T), :]
        cols = cols_ref[:, pl.ds(b * _T, _T)]
        x1r, x2r, y1r, y2r, ar, sr = _decode_rows(rows)
        x1c, x2c, y1c, y2c, ac, sc = _decode_cols(cols)

        iw = jnp.maximum(jnp.minimum(x2r, x2c) - jnp.maximum(x1r, x1c), 0.0)
        ih = jnp.maximum(jnp.minimum(y2r, y2c) - jnp.maximum(y1r, y1c), 0.0)
        inter = iw * ih
        iou = inter / ((ar + ac) - inter)
        iou2 = iou * iou

        rsel = jnp.where(sc > sr, iou2, 0.0)
        w = _T
        while w > 128:
            w //= 2
            rsel = rsel[:, :w] + rsel[:, w:]
        accr_ref[pl.ds(a * _T, _T), :] += rsel

        @pl.when(b != a)
        def _cols():
            csel = jnp.where(sr > sc, iou2, 0.0)
            hgt = _T
            while hgt > 8:
                hgt //= 2
                csel = csel[:hgt, :] + csel[hgt:, :]
            accc_ref[:, pl.ds(b * _T, _T)] += csel


def _final_kernel(accr_ref, accct_ref, s_ref, out_ref):
    total = (jnp.sum(accr_ref[...], axis=1, keepdims=True)
             + jnp.sum(accct_ref[...], axis=1, keepdims=True))
    new = s_ref[...] * jnp.exp(-total / _SIGMA)
    out_ref[:, 0:1] = jnp.where(new > 0.1, new, 0.0)


@jax.jit
def kernel(boxes, scores):
    dest2, feats0 = pl.pallas_call(
        _rank_kernel,
        out_shape=[jax.ShapeDtypeStruct((_NP, 1), jnp.int32),
                   jax.ShapeDtypeStruct((_NP, _D), jnp.float32)],
    )(jnp.pad(boxes, ((0, _NP - _N), (0, 0))),
      jnp.pad(scores, (0, _NP - _N)).reshape(_NP, 1))
    dest = dest2.reshape(_NP)

    feats = _sc_scatter(feats0, dest)
    spad = feats[:, 4]
    cols = feats[:, :8].T

    accr, accc = pl.pallas_call(
        _tile_kernel,
        grid_spec=pltpu.PrefetchScalarGridSpec(
            num_scalar_prefetch=1,
            grid=(_NUM_TILES,),
            in_specs=[
                pl.BlockSpec((_NP, _D), lambda t, tab: (0, 0)),
                pl.BlockSpec((8, _NP), lambda t, tab: (0, 0)),
            ],
            out_specs=[
                pl.BlockSpec((_NP, 128), lambda t, tab: (0, 0)),
                pl.BlockSpec((8, _NP), lambda t, tab: (0, 0)),
            ],
            scratch_shapes=[
                pltpu.SMEM((_NT,), jnp.float32),
                pltpu.SMEM((_NT,), jnp.float32),
            ],
        ),
        out_shape=[
            jax.ShapeDtypeStruct((_NP, 128), jnp.float32),
            jax.ShapeDtypeStruct((8, _NP), jnp.float32),
        ],
    )(jnp.asarray(_PAIRS), feats, cols)

    out_sorted = pl.pallas_call(
        _final_kernel,
        out_shape=jax.ShapeDtypeStruct((_NP, _D), jnp.float32),
    )(accr, accc.T, spad.reshape(_NP, 1))

    out = _sc_gather(out_sorted, dest)
    return out[:_N, 0]

# --- scband reference (transcript-rebuilt; emitter-appended) ---
"""Pipeline reference for scband-frustum-proposer-29025388987067 (READ-ONLY COPY).

The authoritative reference and input builder live on the scoring server;
editing this copy changes nothing except your own understanding.
"""

import jax, jax.numpy as jnp
import numpy as np

SCORE_SIGMA = 0.5

def setup_inputs(seed: int = 0) -> dict:
    key = jax.random.key(seed)
    k1, k2 = jax.random.split(key)
    boxes = jax.random.uniform(k1, (5000, 4), dtype=jnp.float32)
    scores = jax.random.uniform(k2, (5000,), dtype=jnp.float32)
    return {"boxes": boxes, "scores": scores}

def reference(boxes, scores):
    # Interpret boxes as (cx, cy, w, h) in normalized coords; scale to scene units.
    cx = boxes[:, 0] * 100.0
    cy = boxes[:, 1] * 100.0
    w = boxes[:, 2] * 10.0 + 1e-3
    h = boxes[:, 3] * 10.0 + 1e-3
    x1 = cx - w / 2.0
    x2 = cx + w / 2.0
    y1 = cy - h / 2.0
    y2 = cy + h / 2.0
    area = w * h
    # Pairwise IoU matrix [N, N] -- memory-bound core of the suppression step.
    xx1 = jnp.maximum(x1[:, None], x1[None, :])
    yy1 = jnp.maximum(y1[:, None], y1[None, :])
    xx2 = jnp.minimum(x2[:, None], x2[None, :])
    yy2 = jnp.minimum(y2[:, None], y2[None, :])
    iw = jnp.clip(xx2 - xx1, 0.0)
    ih = jnp.clip(yy2 - yy1, 0.0)
    inter = iw * ih
    iou = inter / (area[:, None] + area[None, :] - inter + 1e-8)
    # Suppress each proposal by overlap with higher-scoring proposals
    # (soft-NMS style decay, mirroring the cluster-centre suppression loop
    # in FrustumProposer's CombinedAngleClusterer keep/merge pass).
    higher = (scores[None, :] > scores[:, None]).astype(boxes.dtype)
    decay = jnp.exp(-jnp.sum(higher * (iou ** 2), axis=1) / SCORE_SIGMA)
    new_scores = scores * decay
    # score threshold mask (score_thr=0.1)
    keep_mask = (new_scores > 0.1).astype(new_scores.dtype)
    out = new_scores * keep_mask
    return out

if __name__ == "__main__":
    import jax
    _d = setup_inputs()
    print(jax.jit(kernel)(*tuple(_d.values())))

</pallas_src>

<mosaic_0001>
#map = affine_map<(d0, d1) -> (0, 0)>
#map1 = affine_map<(d0, d1) -> (0)>
module attributes {stable_mosaic.version = 14 : i64} {
  func.func @_sc_gather(%arg0: i32, %arg1: i32, %arg2: memref<5120x128xf32, #tpu.memory_space<hbm>>, %arg3: memref<5120xi32, #tpu.memory_space<hbm>>, %arg4: memref<5120x128xf32, #tpu.memory_space<hbm>>, %arg5: memref<160xi32, #tpu.memory_space<vmem>>, %arg6: memref<160x128xf32, #tpu.memory_space<vmem>>, %arg7: memref<!tpu.dma_semaphore, #tpu.memory_space<semaphore_mem>>) attributes {dimension_semantics = [#tpu.dimension_semantics<core_parallel>, #tpu.dimension_semantics<subcore_parallel>], iteration_bounds = array<i64: 2, 16>, scalar_prefetch = 0 : i64, scratch_operands = 3 : i64, tpu.core_type = #tpu.core_type<sc_vector_subcore>, window_params = [{transform_indices = #map}, {transform_indices = #map1}, {transform_indices = #map}]} {
    %mul3A = arith.constant 2 : i32
    %mul3A_0 = arith.muli %arg1, %mul3A : i32
    %add3A = arith.addi %mul3A_0, %arg0 : i32
    %mul3A_1 = arith.constant 160 : i32
    %mul3A_2 = arith.muli %add3A, %mul3A_1 : i32
    "tpu.region"() ({
      %run_scoped3A = tpu.sem_alloc : memref<!tpu.dma_semaphore, #tpu.memory_space<semaphore_mem>>
      %dma_start3A_7 = tpu.memref_slice %arg3[%mul3A_2] : memref<5120xi32, #tpu.memory_space<hbm>> -> memref<160xi32, #tpu.memory_space<hbm>>
      %dma_start3A_8 = tpu.memref_slice %arg3[%mul3A_2] : memref<5120xi32, #tpu.memory_space<hbm>> -> memref<160xi32, #tpu.memory_space<hbm>>
      tpu.enqueue_dma source(%dma_start3A_8 : memref<160xi32, #tpu.memory_space<hbm>>) target(%arg5 : memref<160xi32, #tpu.memory_space<vmem>>) target_semaphore(%run_scoped3A : memref<!tpu.dma_semaphore, #tpu.memory_space<semaphore_mem>>)
      %dma_wait3A_9 = tpu.memref_slice %arg3[%mul3A_2] : memref<5120xi32, #tpu.memory_space<hbm>> -> memref<160xi32, #tpu.memory_space<hbm>>
      %dma_wait3A_10 = tpu.memref_slice %arg3[%mul3A_2] : memref<5120xi32, #tpu.memory_space<hbm>> -> memref<160xi32, #tpu.memory_space<hbm>>
      tpu.wait_dma2 semaphore(%run_scoped3A : memref<!tpu.dma_semaphore, #tpu.memory_space<semaphore_mem>>) src(%dma_wait3A_10 : memref<160xi32, #tpu.memory_space<hbm>>) dst(%arg5 : memref<160xi32, #tpu.memory_space<vmem>>)
      tpu.yield
    }) : () -> ()
    %dma_start3A = arith.constant 0 : i32
    %dma_start3A_3 = arith.constant 0 : i32
    %dma_start3A_4 = tpu.memref_slice %arg2[%dma_start3A, %dma_start3A_3] : memref<5120x128xf32, #tpu.memory_space<hbm>> -> memref<5120x128xf32, #tpu.memory_space<hbm>>
    tpu.enqueue_indirect_dma source(%dma_start3A_4 : memref<5120x128xf32, #tpu.memory_space<hbm>>) target(%arg6 : memref<160x128xf32, #tpu.memory_space<vmem>>) offsets(%arg5 : memref<160xi32, #tpu.memory_space<vmem>>) semaphore(%arg7 : memref<!tpu.dma_semaphore, #tpu.memory_space<semaphore_mem>>)
    %dma_wait3A = arith.constant 0 : i32
    %dma_wait3A_5 = arith.constant 0 : i32
    %dma_wait3A_6 = tpu.memref_slice %arg2[%dma_wait3A, %dma_wait3A_5] : memref<5120x128xf32, #tpu.memory_space<hbm>> -> memref<5120x128xf32, #tpu.memory_space<hbm>>
    tpu.wait_indirect_dma semaphore(%arg7 : memref<!tpu.dma_semaphore, #tpu.memory_space<semaphore_mem>>) src(%dma_wait3A_6 : memref<5120x128xf32, #tpu.memory_space<hbm>>) dst(%arg6 : memref<160x128xf32, #tpu.memory_space<vmem>>)
    "tpu.region"() ({
      %run_scoped3A = tpu.sem_alloc : memref<!tpu.dma_semaphore, #tpu.memory_space<semaphore_mem>>
      %dma_start3A_7 = arith.constant 0 : i32
      %dma_start3A_8 = tpu.memref_slice %arg4[%mul3A_2, %dma_start3A_7] : memref<5120x128xf32, #tpu.memory_space<hbm>> -> memref<160x128xf32, #tpu.memory_space<hbm>>
      %dma_start3A_9 = arith.constant 0 : i32
      %dma_start3A_10 = tpu.memref_slice %arg4[%mul3A_2, %dma_start3A_9] : memref<5120x128xf32, #tpu.memory_space<hbm>> -> memref<160x128xf32, #tpu.memory_space<hbm>>
      tpu.enqueue_dma source(%arg6 : memref<160x128xf32, #tpu.memory_space<vmem>>) target(%dma_start3A_10 : memref<160x128xf32, #tpu.memory_space<hbm>>) target_semaphore(%run_scoped3A : memref<!tpu.dma_semaphore, #tpu.memory_space<semaphore_mem>>)
      %dma_wait3A_11 = arith.constant 0 : i32
      %dma_wait3A_12 = tpu.memref_slice %arg4[%mul3A_2, %dma_wait3A_11] : memref<5120x128xf32, #tpu.memory_space<hbm>> -> memref<160x128xf32, #tpu.memory_space<hbm>>
      %dma_wait3A_13 = arith.constant 0 : i32
      %dma_wait3A_14 = tpu.memref_slice %arg4[%mul3A_2, %dma_wait3A_13] : memref<5120x128xf32, #tpu.memory_space<hbm>> -> memref<160x128xf32, #tpu.memory_space<hbm>>
      tpu.wait_dma2 semaphore(%run_scoped3A : memref<!tpu.dma_semaphore, #tpu.memory_space<semaphore_mem>>) src(%arg6 : memref<160x128xf32, #tpu.memory_space<vmem>>) dst(%dma_wait3A_14 : memref<160x128xf32, #tpu.memory_space<hbm>>)
      tpu.yield
    }) : () -> ()
    return
  }
}

#map = affine_map<(d0, d1) -> (0, 0)>
#map1 = affine_map<(d0, d1) -> (0)>
module attributes {stable_mosaic.version = 14 : i64} {
  func.func @_sc_scatter(%arg0: i32, %arg1: i32, %arg2: memref<5120x128xf32, #tpu.memory_space<hbm>>, %arg3: memref<5120xi32, #tpu.memory_space<hbm>>, %arg4: memref<5120x128xf32, #tpu.memory_space<hbm>>, %arg5: memref<160xi32, #tpu.memory_space<vmem>>, %arg6: memref<160x128xf32, #tpu.memory_space<vmem>>, %arg7: memref<!tpu.dma_semaphore, #tpu.memory_space<semaphore_mem>>) attributes {dimension_semantics = [#tpu.dimension_semantics<core_parallel>, #tpu.dimension_semantics<subcore_parallel>], iteration_bounds = array<i64: 2, 16>, scalar_prefetch = 0 : i64, scratch_operands = 3 : i64, tpu.core_type = #tpu.core_type<sc_vector_subcore>, window_params = [{transform_indices = #map}, {transform_indices = #map1}, {transform_indices = #map}]} {
    %mul3A = arith.constant 2 : i32
    %mul3A_0 = arith.muli %arg1, %mul3A : i32
    %add3A = arith.addi %mul3A_0, %arg0 : i32
    %mul3A_1 = arith.constant 160 : i32
    %mul3A_2 = arith.muli %add3A, %mul3A_1 : i32
    "tpu.region"() ({
      %run_scoped3A = tpu.sem_alloc : memref<!tpu.dma_semaphore, #tpu.memory_space<semaphore_mem>>
      %dma_start3A_7 = tpu.memref_slice %arg3[%mul3A_2] : memref<5120xi32, #tpu.memory_space<hbm>> -> memref<160xi32, #tpu.memory_space<hbm>>
      %dma_start3A_8 = tpu.memref_slice %arg3[%mul3A_2] : memref<5120xi32, #tpu.memory_space<hbm>> -> memref<160xi32, #tpu.memory_space<hbm>>
      tpu.enqueue_dma source(%dma_start3A_8 : memref<160xi32, #tpu.memory_space<hbm>>) target(%arg5 : memref<160xi32, #tpu.memory_space<vmem>>) target_semaphore(%run_scoped3A : memref<!tpu.dma_semaphore, #tpu.memory_space<semaphore_mem>>)
      %dma_wait3A_9 = tpu.memref_slice %arg3[%mul3A_2] : memref<5120xi32, #tpu.memory_space<hbm>> -> memref<160xi32, #tpu.memory_space<hbm>>
      %dma_wait3A_10 = tpu.memref_slice %arg3[%mul3A_2] : memref<5120xi32, #tpu.memory_space<hbm>> -> memref<160xi32, #tpu.memory_space<hbm>>
      tpu.wait_dma2 semaphore(%run_scoped3A : memref<!tpu.dma_semaphore, #tpu.memory_space<semaphore_mem>>) src(%dma_wait3A_10 : memref<160xi32, #tpu.memory_space<hbm>>) dst(%arg5 : memref<160xi32, #tpu.memory_space<vmem>>)
      tpu.yield
    }) : () -> ()
    "tpu.region"() ({
      %run_scoped3A = tpu.sem_alloc : memref<!tpu.dma_semaphore, #tpu.memory_space<semaphore_mem>>
      %dma_start3A_7 = arith.constant 0 : i32
      %dma_start3A_8 = tpu.memref_slice %arg2[%mul3A_2, %dma_start3A_7] : memref<5120x128xf32, #tpu.memory_space<hbm>> -> memref<160x128xf32, #tpu.memory_space<hbm>>
      %dma_start3A_9 = arith.constant 0 : i32
      %dma_start3A_10 = tpu.memref_slice %arg2[%mul3A_2, %dma_start3A_9] : memref<5120x128xf32, #tpu.memory_space<hbm>> -> memref<160x128xf32, #tpu.memory_space<hbm>>
      tpu.enqueue_dma source(%dma_start3A_10 : memref<160x128xf32, #tpu.memory_space<hbm>>) target(%arg6 : memref<160x128xf32, #tpu.memory_space<vmem>>) target_semaphore(%run_scoped3A : memref<!tpu.dma_semaphore, #tpu.memory_space<semaphore_mem>>)
      %dma_wait3A_11 = arith.constant 0 : i32
      %dma_wait3A_12 = tpu.memref_slice %arg2[%mul3A_2, %dma_wait3A_11] : memref<5120x128xf32, #tpu.memory_space<hbm>> -> memref<160x128xf32, #tpu.memory_space<hbm>>
      %dma_wait3A_13 = arith.constant 0 : i32
      %dma_wait3A_14 = tpu.memref_slice %arg2[%mul3A_2, %dma_wait3A_13] : memref<5120x128xf32, #tpu.memory_space<hbm>> -> memref<160x128xf32, #tpu.memory_space<hbm>>
      tpu.wait_dma2 semaphore(%run_scoped3A : memref<!tpu.dma_semaphore, #tpu.memory_space<semaphore_mem>>) src(%dma_wait3A_14 : memref<160x128xf32, #tpu.memory_space<hbm>>) dst(%arg6 : memref<160x128xf32, #tpu.memory_space<vmem>>)
      tpu.yield
    }) : () -> ()
    %dma_start3A = arith.constant 0 : i32
    %dma_start3A_3 = arith.constant 0 : i32
    %dma_start3A_4 = tpu.memref_slice %arg4[%dma_start3A, %dma_start3A_3] : memref<5120x128xf32, #tpu.memory_space<hbm>> -> memref<5120x128xf32, #tpu.memory_space<hbm>>
    tpu.enqueue_indirect_dma source(%arg6 : memref<160x128xf32, #tpu.memory_space<vmem>>) target(%dma_start3A_4 : memref<5120x128xf32, #tpu.memory_space<hbm>>) offsets(%arg5 : memref<160xi32, #tpu.memory_space<vmem>>) semaphore(%arg7 : memref<!tpu.dma_semaphore, #tpu.memory_space<semaphore_mem>>)
    %dma_wait3A = arith.constant 0 : i32
    %dma_wait3A_5 = arith.constant 0 : i32
    %dma_wait3A_6 = tpu.memref_slice %arg4[%dma_wait3A, %dma_wait3A_5] : memref<5120x128xf32, #tpu.memory_space<hbm>> -> memref<5120x128xf32, #tpu.memory_space<hbm>>
    tpu.wait_indirect_dma semaphore(%arg7 : memref<!tpu.dma_semaphore, #tpu.memory_space<semaphore_mem>>) src(%arg6 : memref<160x128xf32, #tpu.memory_space<vmem>>) dst(%dma_wait3A_6 : memref<5120x128xf32, #tpu.memory_space<hbm>>)
    return
  }
}

module attributes {stable_mosaic.version = 14 : i64} {
  func.func @_rank_kernel(%arg0: memref<5120x4xf32, #tpu.memory_space<vmem>>, %arg1: memref<5120x1xf32, #tpu.memory_space<vmem>>, %arg2: memref<5120x1xi32, #tpu.memory_space<vmem>>, %arg3: memref<5120x128xf32, #tpu.memory_space<vmem>>) attributes {dimension_semantics = [], scalar_prefetch = 0 : i64, scratch_operands = 0 : i64, tpu.core_type = #tpu.core_type<tc>} {
    %iota3A = tpu.iota {dimensions = array<i32: 0>} : vector<5120x1xi32>
    %lt3A = arith.constant 5000 : i32
    %lt3A_0 = vector.broadcast %lt3A : i32 to vector<5120x1xi32>
    %lt3A_1 = arith.cmpi slt, %iota3A, %lt3A_0 : vector<5120x1xi32>
    %get3A = arith.constant 0 : index
    %get3A_2 = arith.constant 0 : index
    %get3A_3 = vector.load %arg0[%get3A, %get3A_2] : memref<5120x4xf32, #tpu.memory_space<vmem>>, vector<5120x4xf32>
    %slice3A = vector.extract_strided_slice %get3A_3 {offsets = [0, 0], sizes = [5120, 1], strides = [1, 1]} : vector<5120x4xf32> to vector<5120x1xf32>
    %jit3A = arith.constant 1.000000e+04 : f32
    %broadcast_in_dim3A = vector.broadcast %jit3A : f32 to vector<5120x1xf32>
    %select_n3A = arith.select %lt3A_1, %slice3A, %broadcast_in_dim3A : vector<5120x1xi1>, vector<5120x1xf32>
    %swap3A = arith.constant 0 : index
    %swap3A_4 = arith.constant 0 : index
    %swap3A_5 = vector.load %arg3[%swap3A, %swap3A_4] : memref<5120x128xf32, #tpu.memory_space<vmem>>, vector<5120x1xf32>
    tpu.vector_store %arg3[%swap3A, %swap3A_4], %select_n3A {strides = array<i32>} : memref<5120x128xf32, #tpu.memory_space<vmem>>, vector<5120x1xf32>,
    %slice3A_6 = vector.extract_strided_slice %get3A_3 {offsets = [0, 1], sizes = [5120, 1], strides = [1, 1]} : vector<5120x4xf32> to vector<5120x1xf32>
    %swap3A_7 = arith.constant 0 : index
    %swap3A_8 = arith.constant 1 : index
    %swap3A_9 = vector.load %arg3[%swap3A_7, %swap3A_8] : memref<5120x128xf32, #tpu.memory_space<vmem>>, vector<5120x1xf32>
    tpu.vector_store %arg3[%swap3A_7, %swap3A_8], %slice3A_6 {strides = array<i32>} : memref<5120x128xf32, #tpu.memory_space<vmem>>, vector<5120x1xf32>,
    %slice3A_10 = vector.extract_strided_slice %get3A_3 {offsets = [0, 2], sizes = [5120, 1], strides = [1, 1]} : vector<5120x4xf32> to vector<5120x1xf32>
    %swap3A_11 = arith.constant 0 : index
    %swap3A_12 = arith.constant 2 : index
    %swap3A_13 = vector.load %arg3[%swap3A_11, %swap3A_12] : memref<5120x128xf32, #tpu.memory_space<vmem>>, vector<5120x1xf32>
    tpu.vector_store %arg3[%swap3A_11, %swap3A_12], %slice3A_10 {strides = array<i32>} : memref<5120x128xf32, #tpu.memory_space<vmem>>, vector<5120x1xf32>,
    %slice3A_14 = vector.extract_strided_slice %get3A_3 {offsets = [0, 3], sizes = [5120, 1], strides = [1, 1]} : vector<5120x4xf32> to vector<5120x1xf32>
    %swap3A_15 = arith.constant 0 : index
    %swap3A_16 = arith.constant 3 : index
    %swap3A_17 = vector.load %arg3[%swap3A_15, %swap3A_16] : memref<5120x128xf32, #tpu.memory_space<vmem>>, vector<5120x1xf32>
    tpu.vector_store %arg3[%swap3A_15, %swap3A_16], %slice3A_14 {strides = array<i32>} : memref<5120x128xf32, #tpu.memory_space<vmem>>, vector<5120x1xf32>,
    %get3A_18 = arith.constant 0 : index
    %get3A_19 = arith.constant 0 : index
    %get3A_20 = vector.load %arg1[%get3A_18, %get3A_19] : memref<5120x1xf32, #tpu.memory_space<vmem>>, vector<5120x1xf32>
    %jit3A_21 = arith.constant -1.000000e+00 : f32
    %broadcast_in_dim3A_22 = vector.broadcast %jit3A_21 : f32 to vector<5120x1xf32>
    %select_n3A_23 = arith.select %lt3A_1, %get3A_20, %broadcast_in_dim3A_22 : vector<5120x1xi1>, vector<5120x1xf32>
    %swap3A_24 = arith.constant 0 : index
    %swap3A_25 = arith.constant 4 : index
    %swap3A_26 = vector.load %arg3[%swap3A_24, %swap3A_25] : memref<5120x128xf32, #tpu.memory_space<vmem>>, vector<5120x1xf32>
    tpu.vector_store %arg3[%swap3A_24, %swap3A_25], %select_n3A_23 {strides = array<i32>} : memref<5120x128xf32, #tpu.memory_space<vmem>>, vector<5120x1xf32>,
    %iota3A_27 = tpu.iota {dimensions = array<i32: 1>} : vector<1x128xi32>
    %convert_element_type3A = arith.sitofp %iota3A_27 : vector<1x128xi32> to vector<1x128xf32>
    %mul3A = arith.constant 1.280000e+02 : f32
    %mul3A_28 = vector.broadcast %mul3A : f32 to vector<5120x1xf32>
    %mul3A_29 = arith.mulf %select_n3A, %mul3A_28 : vector<5120x1xf32>
    %floor3A = math.floor %mul3A_29 : vector<5120x1xf32>
    %jit3A_30 = arith.constant 0.000000e+00 : f32
    %jit3A_31 = arith.constant 1.270000e+02 : f32
    %max3A = vector.broadcast %jit3A_30 : f32 to vector<5120x1xf32>
    %max3A_32 = arith.maximumf %max3A, %floor3A : vector<5120x1xf32>
    %min3A = vector.broadcast %jit3A_31 : f32 to vector<5120x1xf32>
    %min3A_33 = arith.minimumf %min3A, %max3A_32 : vector<5120x1xf32>
    %eq3A = vector.broadcast %min3A_33 : vector<5120x1xf32> to vector<5120x128xf32>
    %eq3A_34 = vector.broadcast %convert_element_type3A : vector<1x128xf32> to vector<5120x128xf32>
    %eq3A_35 = arith.cmpf oeq, %eq3A, %eq3A_34 : vector<5120x128xf32>
    %convert_element_type3A_36 = arith.extui %eq3A_35 : vector<5120x128xi1> to vector<5120x128xi32>
    %convert_element_type3A_37 = arith.sitofp %convert_element_type3A_36 : vector<5120x128xi32> to vector<5120x128xf32>
    %broadcast_in_dim3A_38 = arith.constant 0.000000e+00 : f32
    %broadcast_in_dim3A_39 = vector.broadcast %broadcast_in_dim3A_38 : f32 to vector<1x128xf32>
    %slice3A_40 = vector.extract_strided_slice %convert_element_type3A_37 {offsets = [0, 0], sizes = [5119, 128], strides = [1, 1]} : vector<5120x128xf32> to vector<5119x128xf32>
    %concatenate3A = tpu.concatenate %broadcast_in_dim3A_39, %slice3A_40 in 0 : vector<1x128xf32>, vector<5119x128xf32> -> vector<5120x128xf32>
    %add3A = arith.addf %convert_element_type3A_37, %concatenate3A : vector<5120x128xf32>
    %broadcast_in_dim3A_41 = arith.constant 0.000000e+00 : f32
    %broadcast_in_dim3A_42 = vector.broadcast %broadcast_in_dim3A_41 : f32 to vector<2x128xf32>
    %slice3A_43 = vector.extract_strided_slice %add3A {offsets = [0, 0], sizes = [5118, 128], strides = [1, 1]} : vector<5120x128xf32> to vector<5118x128xf32>
    %concatenate3A_44 = tpu.concatenate %broadcast_in_dim3A_42, %slice3A_43 in 0 : vector<2x128xf32>, vector<5118x128xf32> -> vector<5120x128xf32>
    %add3A_45 = arith.addf %add3A, %concatenate3A_44 : vector<5120x128xf32>
    %broadcast_in_dim3A_46 = arith.constant 0.000000e+00 : f32
    %broadcast_in_dim3A_47 = vector.broadcast %broadcast_in_dim3A_46 : f32 to vector<4x128xf32>
    %slice3A_48 = vector.extract_strided_slice %add3A_45 {offsets = [0, 0], sizes = [5116, 128], strides = [1, 1]} : vector<5120x128xf32> to vector<5116x128xf32>
    %concatenate3A_49 = tpu.concatenate %broadcast_in_dim3A_47, %slice3A_48 in 0 : vector<4x128xf32>, vector<5116x128xf32> -> vector<5120x128xf32>
    %add3A_50 = arith.addf %add3A_45, %concatenate3A_49 : vector<5120x128xf32>
    %broadcast_in_dim3A_51 = arith.constant 0.000000e+00 : f32
    %broadcast_in_dim3A_52 = vector.broadcast %broadcast_in_dim3A_51 : f32 to vector<8x128xf32>
    %slice3A_53 = vector.extract_strided_slice %add3A_50 {offsets = [0, 0], sizes = [5112, 128], strides = [1, 1]} : vector<5120x128xf32> to vector<5112x128xf32>
    %concatenate3A_54 = tpu.concatenate %broadcast_in_dim3A_52, %slice3A_53 in 0 : vector<8x128xf32>, vector<5112x128xf32> -> vector<5120x128xf32>
    %add3A_55 = arith.addf %add3A_50, %concatenate3A_54 : vector<5120x128xf32>
    %broadcast_in_dim3A_56 = arith.constant 0.000000e+00 : f32
    %broadcast_in_dim3A_57 = vector.broadcast %broadcast_in_dim3A_56 : f32 to vector<16x128xf32>
    %slice3A_58 = vector.extract_strided_slice %add3A_55 {offsets = [0, 0], sizes = [5104, 128], strides = [1, 1]} : vector<5120x128xf32> to vector<5104x128xf32>
    %concatenate3A_59 = tpu.concatenate %broadcast_in_dim3A_57, %slice3A_58 in 0 : vector<16x128xf32>, vector<5104x128xf32> -> vector<5120x128xf32>
    %add3A_60 = arith.addf %add3A_55, %concatenate3A_59 : vector<5120x128xf32>
    %broadcast_in_dim3A_61 = arith.constant 0.000000e+00 : f32
    %broadcast_in_dim3A_62 = vector.broadcast %broadcast_in_dim3A_61 : f32 to vector<32x128xf32>
    %slice3A_63 = vector.extract_strided_slice %add3A_60 {offsets = [0, 0], sizes = [5088, 128], strides = [1, 1]} : vector<5120x128xf32> to vector<5088x128xf32>
    %concatenate3A_64 = tpu.concatenate %broadcast_in_dim3A_62, %slice3A_63 in 0 : vector<32x128xf32>, vector<5088x128xf32> -> vector<5120x128xf32>
    %add3A_65 = arith.addf %add3A_60, %concatenate3A_64 : vector<5120x128xf32>
    %broadcast_in_dim3A_66 = arith.constant 0.000000e+00 : f32
    %broadcast_in_dim3A_67 = vector.broadcast %broadcast_in_dim3A_66 : f32 to vector<64x128xf32>
    %slice3A_68 = vector.extract_strided_slice %add3A_65 {offsets = [0, 0], sizes = [5056, 128], strides = [1, 1]} : vector<5120x128xf32> to vector<5056x128xf32>
    %concatenate3A_69 = tpu.concatenate %broadcast_in_dim3A_67, %slice3A_68 in 0 : vector<64x128xf32>, vector<5056x128xf32> -> vector<5120x128xf32>
    %add3A_70 = arith.addf %add3A_65, %concatenate3A_69 : vector<5120x128xf32>
    %broadcast_in_dim3A_71 = arith.constant 0.000000e+00 : f32
    %broadcast_in_dim3A_72 = vector.broadcast %broadcast_in_dim3A_71 : f32 to vector<128x128xf32>
    %slice3A_73 = vector.extract_strided_slice %add3A_70 {offsets = [0, 0], sizes = [4992, 128], strides = [1, 1]} : vector<5120x128xf32> to vector<4992x128xf32>
    %concatenate3A_74 = tpu.concatenate %broadcast_in_dim3A_72, %slice3A_73 in 0 : vector<128x128xf32>, vector<4992x128xf32> -> vector<5120x128xf32>
    %add3A_75 = arith.addf %add3A_70, %concatenate3A_74 : vector<5120x128xf32>
    %broadcast_in_dim3A_76 = arith.constant 0.000000e+00 : f32
    %broadcast_in_dim3A_77 = vector.broadcast %broadcast_in_dim3A_76 : f32 to vector<256x128xf32>
    %slice3A_78 = vector.extract_strided_slice %add3A_75 {offsets = [0, 0], sizes = [4864, 128], strides = [1, 1]} : vector<5120x128xf32> to vector<4864x128xf32>
    %concatenate3A_79 = tpu.concatenate %broadcast_in_dim3A_77, %slice3A_78 in 0 : vector<256x128xf32>, vector<4864x128xf32> -> vector<5120x128xf32>
    %add3A_80 = arith.addf %add3A_75, %concatenate3A_79 : vector<5120x128xf32>
    %broadcast_in_dim3A_81 = arith.constant 0.000000e+00 : f32
    %broadcast_in_dim3A_82 = vector.broadcast %broadcast_in_dim3A_81 : f32 to vector<512x128xf32>
    %slice3A_83 = vector.extract_strided_slice %add3A_80 {offsets = [0, 0], sizes = [4608, 128], strides = [1, 1]} : vector<5120x128xf32> to vector<4608x128xf32>
    %concatenate3A_84 = tpu.concatenate %broadcast_in_dim3A_82, %slice3A_83 in 0 : vector<512x128xf32>, vector<4608x128xf32> -> vector<5120x128xf32>
    %add3A_85 = arith.addf %add3A_80, %concatenate3A_84 : vector<5120x128xf32>
    %broadcast_in_dim3A_86 = arith.constant 0.000000e+00 : f32
    %broadcast_in_dim3A_87 = vector.broadcast %broadcast_in_dim3A_86 : f32 to vector<1024x128xf32>
    %slice3A_88 = vector.extract_strided_slice %add3A_85 {offsets = [0, 0], sizes = [4096, 128], strides = [1, 1]} : vector<5120x128xf32> to vector<4096x128xf32>
    %concatenate3A_89 = tpu.concatenate %broadcast_in_dim3A_87, %slice3A_88 in 0 : vector<1024x128xf32>, vector<4096x128xf32> -> vector<5120x128xf32>
    %add3A_90 = arith.addf %add3A_85, %concatenate3A_89 : vector<5120x128xf32>
    %broadcast_in_dim3A_91 = arith.constant 0.000000e+00 : f32
    %broadcast_in_dim3A_92 = vector.broadcast %broadcast_in_dim3A_91 : f32 to vector<2048x128xf32>
    %slice3A_93 = vector.extract_strided_slice %add3A_90 {offsets = [0, 0], sizes = [3072, 128], strides = [1, 1]} : vector<5120x128xf32> to vector<3072x128xf32>
    %concatenate3A_94 = tpu.concatenate %broadcast_in_dim3A_92, %slice3A_93 in 0 : vector<2048x128xf32>, vector<3072x128xf32> -> vector<5120x128xf32>
    %add3A_95 = arith.addf %add3A_90, %concatenate3A_94 : vector<5120x128xf32>
    %broadcast_in_dim3A_96 = arith.constant 0.000000e+00 : f32
    %broadcast_in_dim3A_97 = vector.broadcast %broadcast_in_dim3A_96 : f32 to vector<4096x128xf32>
    %slice3A_98 = vector.extract_strided_slice %add3A_95 {offsets = [0, 0], sizes = [1024, 128], strides = [1, 1]} : vector<5120x128xf32> to vector<1024x128xf32>
    %concatenate3A_99 = tpu.concatenate %broadcast_in_dim3A_97, %slice3A_98 in 0 : vector<4096x128xf32>, vector<1024x128xf32> -> vector<5120x128xf32>
    %add3A_100 = arith.addf %add3A_95, %concatenate3A_99 : vector<5120x128xf32>
    %sub3A = arith.subf %add3A_100, %convert_element_type3A_37 : vector<5120x128xf32>
    %mul3A_101 = arith.mulf %convert_element_type3A_37, %sub3A : vector<5120x128xf32>
    %reduce_sum3A = arith.constant dense<0.000000e+00> : vector<5120xf32>
    %reduce_sum3A_102 = vector.multi_reduction <add>, %mul3A_101, %reduce_sum3A [1] : vector<5120x128xf32> to vector<5120xf32>
    %broadcast_in_dim3A_103 = vector.shape_cast %reduce_sum3A_102 : vector<5120xf32> to vector<5120x1xf32>
    %slice3A_104 = vector.extract_strided_slice %add3A_100 {offsets = [5119, 0], sizes = [1, 128], strides = [1, 1]} : vector<5120x128xf32> to vector<1x128xf32>
    %broadcast_in_dim3A_105 = arith.constant 0.000000e+00 : f32
    %broadcast_in_dim3A_106 = vector.broadcast %broadcast_in_dim3A_105 : f32 to vector<1x1xf32>
    %slice3A_107 = vector.extract_strided_slice %slice3A_104 {offsets = [0, 0], sizes = [1, 127], strides = [1, 1]} : vector<1x128xf32> to vector<1x127xf32>
    %concatenate3A_108 = tpu.concatenate %broadcast_in_dim3A_106, %slice3A_107 in 1 : vector<1x1xf32>, vector<1x127xf32> -> vector<1x128xf32>
    %add3A_109 = arith.addf %slice3A_104, %concatenate3A_108 : vector<1x128xf32>
    %broadcast_in_dim3A_110 = arith.constant 0.000000e+00 : f32
    %broadcast_in_dim3A_111 = vector.broadcast %broadcast_in_dim3A_110 : f32 to vector<1x2xf32>
    %slice3A_112 = vector.extract_strided_slice %add3A_109 {offsets = [0, 0], sizes = [1, 126], strides = [1, 1]} : vector<1x128xf32> to vector<1x126xf32>
    %concatenate3A_113 = tpu.concatenate %broadcast_in_dim3A_111, %slice3A_112 in 1 : vector<1x2xf32>, vector<1x126xf32> -> vector<1x128xf32>
    %add3A_114 = arith.addf %add3A_109, %concatenate3A_113 : vector<1x128xf32>
    %broadcast_in_dim3A_115 = arith.constant 0.000000e+00 : f32
    %broadcast_in_dim3A_116 = vector.broadcast %broadcast_in_dim3A_115 : f32 to vector<1x4xf32>
    %slice3A_117 = vector.extract_strided_slice %add3A_114 {offsets = [0, 0], sizes = [1, 124], strides = [1, 1]} : vector<1x128xf32> to vector<1x124xf32>
    %concatenate3A_118 = tpu.concatenate %broadcast_in_dim3A_116, %slice3A_117 in 1 : vector<1x4xf32>, vector<1x124xf32> -> vector<1x128xf32>
    %add3A_119 = arith.addf %add3A_114, %concatenate3A_118 : vector<1x128xf32>
    %broadcast_in_dim3A_120 = arith.constant 0.000000e+00 : f32
    %broadcast_in_dim3A_121 = vector.broadcast %broadcast_in_dim3A_120 : f32 to vector<1x8xf32>
    %slice3A_122 = vector.extract_strided_slice %add3A_119 {offsets = [0, 0], sizes = [1, 120], strides = [1, 1]} : vector<1x128xf32> to vector<1x120xf32>
    %concatenate3A_123 = tpu.concatenate %broadcast_in_dim3A_121, %slice3A_122 in 1 : vector<1x8xf32>, vector<1x120xf32> -> vector<1x128xf32>
    %add3A_124 = arith.addf %add3A_119, %concatenate3A_123 : vector<1x128xf32>
    %broadcast_in_dim3A_125 = arith.constant 0.000000e+00 : f32
    %broadcast_in_dim3A_126 = vector.broadcast %broadcast_in_dim3A_125 : f32 to vector<1x16xf32>
    %slice3A_127 = vector.extract_strided_slice %add3A_124 {offsets = [0, 0], sizes = [1, 112], strides = [1, 1]} : vector<1x128xf32> to vector<1x112xf32>
    %concatenate3A_128 = tpu.concatenate %broadcast_in_dim3A_126, %slice3A_127 in 1 : vector<1x16xf32>, vector<1x112xf32> -> vector<1x128xf32>
    %add3A_129 = arith.addf %add3A_124, %concatenate3A_128 : vector<1x128xf32>
    %broadcast_in_dim3A_130 = arith.constant 0.000000e+00 : f32
    %broadcast_in_dim3A_131 = vector.broadcast %broadcast_in_dim3A_130 : f32 to vector<1x32xf32>
    %slice3A_132 = vector.extract_strided_slice %add3A_129 {offsets = [0, 0], sizes = [1, 96], strides = [1, 1]} : vector<1x128xf32> to vector<1x96xf32>
    %concatenate3A_133 = tpu.concatenate %broadcast_in_dim3A_131, %slice3A_132 in 1 : vector<1x32xf32>, vector<1x96xf32> -> vector<1x128xf32>
    %add3A_134 = arith.addf %add3A_129, %concatenate3A_133 : vector<1x128xf32>
    %broadcast_in_dim3A_135 = arith.constant 0.000000e+00 : f32
    %broadcast_in_dim3A_136 = vector.broadcast %broadcast_in_dim3A_135 : f32 to vector<1x64xf32>
    %slice3A_137 = vector.extract_strided_slice %add3A_134 {offsets = [0, 0], sizes = [1, 64], strides = [1, 1]} : vector<1x128xf32> to vector<1x64xf32>
    %concatenate3A_138 = tpu.concatenate %broadcast_in_dim3A_136, %slice3A_137 in 1 : vector<1x64xf32>, vector<1x64xf32> -> vector<1x128xf32>
    %add3A_139 = arith.addf %add3A_134, %concatenate3A_138 : vector<1x128xf32>
    %sub3A_140 = arith.subf %add3A_139, %slice3A_104 : vector<1x128xf32>
    %broadcast_in_dim3A_141 = vector.shape_cast %sub3A_140 : vector<1x128xf32> to vector<1x128xf32>
    %broadcast_in_dim3A_142 = vector.broadcast %broadcast_in_dim3A_141 : vector<1x128xf32> to vector<5120x128xf32>
    %mul3A_143 = arith.mulf %convert_element_type3A_37, %broadcast_in_dim3A_142 : vector<5120x128xf32>
    %reduce_sum3A_144 = arith.constant dense<0.000000e+00> : vector<5120xf32>
    %reduce_sum3A_145 = vector.multi_reduction <add>, %mul3A_143, %reduce_sum3A_144 [1] : vector<5120x128xf32> to vector<5120xf32>
    %broadcast_in_dim3A_146 = vector.shape_cast %reduce_sum3A_145 : vector<5120xf32> to vector<5120x1xf32>
    %add3A_147 = arith.addf %broadcast_in_dim3A_103, %broadcast_in_dim3A_146 : vector<5120x1xf32>
    %convert_element_type3A_148 = arith.fptosi %add3A_147 : vector<5120x1xf32> to vector<5120x1xi32>
    %swap3A_149 = arith.constant 0 : index
    %swap3A_150 = arith.constant 0 : index
    %swap3A_151 = vector.load %arg2[%swap3A_149, %swap3A_150] : memref<5120x1xi32, #tpu.memory_space<vmem>>, vector<5120x1xi32>
    tpu.vector_store %arg2[%swap3A_149, %swap3A_150], %convert_element_type3A_148 {strides = array<i32>} : memref<5120x1xi32, #tpu.memory_space<vmem>>, vector<5120x1xi32>,
    return
  }
}

module attributes {stable_mosaic.version = 14 : i64} {
  func.func @_tile_kernel(%arg0: i32, %arg1: memref<2x55xi32, #tpu.memory_space<smem>>, %arg2: memref<5120x128xf32, #tpu.memory_space<vmem>>, %arg3: memref<8x5120xf32, #tpu.memory_space<vmem>>, %arg4: memref<5120x128xf32, #tpu.memory_space<vmem>>, %arg5: memref<8x5120xf32, #tpu.memory_space<vmem>>, %arg6: memref<10xf32, #tpu.memory_space<smem>>, %arg7: memref<10xf32, #tpu.memory_space<smem>>) attributes {dimension_semantics = [#tpu.dimension_semantics<arbitrary>], iteration_bounds = array<i64: 55>, scalar_prefetch = 1 : i64, scratch_operands = 2 : i64, tpu.core_type = #tpu.core_type<tc>, window_params = [{pipeline_mode = #tpu.pipeline_mode<synchronous>, transform_indices = @transform_0, window_bounds = array<i64: 5120, 128>}, {pipeline_mode = #tpu.pipeline_mode<synchronous>, transform_indices = @transform_1, window_bounds = array<i64: 8, 5120>}, {pipeline_mode = #tpu.pipeline_mode<synchronous>, transform_indices = @transform_2, window_bounds = array<i64: 5120, 128>}, {pipeline_mode = #tpu.pipeline_mode<synchronous>, transform_indices = @transform_3, window_bounds = array<i64: 8, 5120>}]} {
    %get3A = arith.constant 0 : index
    %get3A_0 = arith.index_cast %arg0 : i32 to index
    %get3A_1 = memref.load %arg1[%get3A, %get3A_0] : memref<2x55xi32, #tpu.memory_space<smem>>
    %get3A_2 = arith.constant 1 : index
    %get3A_3 = arith.index_cast %arg0 : i32 to index
    %get3A_4 = memref.load %arg1[%get3A_2, %get3A_3] : memref<2x55xi32, #tpu.memory_space<smem>>
    %eq3A = arith.constant 0 : i32
    %eq3A_5 = arith.cmpi eq, %arg0, %eq3A : i32
    %convert_element_type3A = arith.extui %eq3A_5 : i1 to i32
    %cond3A = arith.constant 0 : i32
    %cond3A_6 = arith.cmpi ne, %convert_element_type3A, %cond3A : i32
    scf.if %cond3A_6 {
      %broadcast_in_dim3A = arith.constant 0.000000e+00 : f32
      %broadcast_in_dim3A_15 = vector.broadcast %broadcast_in_dim3A : f32 to vector<5120x128xf32>
      %swap3A = arith.constant 0 : index
      %swap3A_16 = arith.constant 0 : index
      %swap3A_17 = vector.load %arg4[%swap3A, %swap3A_16] : memref<5120x128xf32, #tpu.memory_space<vmem>>, vector<5120x128xf32>
      tpu.vector_store %arg4[%swap3A, %swap3A_16], %broadcast_in_dim3A_15 {strides = array<i32>} : memref<5120x128xf32, #tpu.memory_space<vmem>>, vector<5120x128xf32>,
      %broadcast_in_dim3A_18 = arith.constant 0.000000e+00 : f32
      %broadcast_in_dim3A_19 = vector.broadcast %broadcast_in_dim3A_18 : f32 to vector<8x5120xf32>
      %swap3A_20 = arith.constant 0 : index
      %swap3A_21 = arith.constant 0 : index
      %swap3A_22 = vector.load %arg5[%swap3A_20, %swap3A_21] : memref<8x5120xf32, #tpu.memory_space<vmem>>, vector<8x5120xf32>
      tpu.vector_store %arg5[%swap3A_20, %swap3A_21], %broadcast_in_dim3A_19 {strides = array<i32>} : memref<8x5120xf32, #tpu.memory_space<vmem>>, vector<8x5120xf32>,
      %get3A_23 = arith.constant 0 : index
      %get3A_24 = arith.constant 0 : index
      %get3A_25 = vector.load %arg2[%get3A_23, %get3A_24] : memref<5120x128xf32, #tpu.memory_space<vmem>>, vector<5120x128xf32>
      %slice3A = vector.extract_strided_slice %get3A_25 {offsets = [0, 0], sizes = [5120, 1], strides = [1, 1]} : vector<5120x128xf32> to vector<5120x1xf32>
      %mul3A = arith.constant 1.000000e+02 : f32
      %mul3A_26 = vector.broadcast %mul3A : f32 to vector<5120x1xf32>
      %mul3A_27 = arith.mulf %slice3A, %mul3A_26 : vector<5120x1xf32>
      %slice3A_28 = vector.extract_strided_slice %get3A_25 {offsets = [0, 2], sizes = [5120, 1], strides = [1, 1]} : vector<5120x128xf32> to vector<5120x1xf32>
      %mul3A_29 = arith.constant 1.000000e+01 : f32
      %mul3A_30 = vector.broadcast %mul3A_29 : f32 to vector<5120x1xf32>
      %mul3A_31 = arith.mulf %slice3A_28, %mul3A_30 : vector<5120x1xf32>
      %add3A = arith.constant 1.000000e-03 : f32
      %add3A_32 = vector.broadcast %add3A : f32 to vector<5120x1xf32>
      %add3A_33 = arith.addf %mul3A_31, %add3A_32 : vector<5120x1xf32>
      %mul3A_34 = arith.constant 5.000000e-01 : f32
      %mul3A_35 = vector.broadcast %mul3A_34 : f32 to vector<5120x1xf32>
      %mul3A_36 = arith.mulf %add3A_33, %mul3A_35 : vector<5120x1xf32>
      %sub3A = arith.subf %mul3A_27, %mul3A_36 : vector<5120x1xf32>
      %mul3A_37 = arith.constant 5.000000e-01 : f32
      %mul3A_38 = vector.broadcast %mul3A_37 : f32 to vector<5120x1xf32>
      %mul3A_39 = arith.mulf %add3A_33, %mul3A_38 : vector<5120x1xf32>
      %add3A_40 = arith.addf %mul3A_27, %mul3A_39 : vector<5120x1xf32>
      %slice3A_41 = vector.extract_strided_slice %add3A_40 {offsets = [0, 0], sizes = [512, 1], strides = [1, 1]} : vector<5120x1xf32> to vector<512x1xf32>
      %squeeze3A = vector.shape_cast %slice3A_41 : vector<512x1xf32> to vector<512xf32>
      %reduce_max3A = vector.shape_cast %squeeze3A : vector<512xf32> to vector<1x512xf32>
      %reduce_max3A_42 = arith.constant dense<0xFF800000> : vector<1xf32>
      %reduce_max3A_43 = vector.multi_reduction <maximumf>, %reduce_max3A, %reduce_max3A_42 [1] : vector<1x512xf32> to vector<1xf32>
      %reduce_max3A_44 = vector.shape_cast %reduce_max3A_43 : vector<1xf32> to vector<1x1xf32>
      %reduce_max3A_45 = vector.extract %reduce_max3A_44[0, 0] : f32 from vector<1x1xf32>
      %swap3A_46 = arith.constant 0 : index
      %swap3A_47 = memref.load %arg6[%swap3A_46] : memref<10xf32, #tpu.memory_space<smem>>
      memref.store %reduce_max3A_45, %arg6[%swap3A_46] : memref<10xf32, #tpu.memory_space<smem>>
      %slice3A_48 = vector.extract_strided_slice %sub3A {offsets = [0, 0], sizes = [512, 1], strides = [1, 1]} : vector<5120x1xf32> to vector<512x1xf32>
      %squeeze3A_49 = vector.shape_cast %slice3A_48 : vector<512x1xf32> to vector<512xf32>
      %reduce_min3A = vector.shape_cast %squeeze3A_49 : vector<512xf32> to vector<1x512xf32>
      %reduce_min3A_50 = arith.constant dense<0x7F800000> : vector<1xf32>
      %reduce_min3A_51 = vector.multi_reduction <minimumf>, %reduce_min3A, %reduce_min3A_50 [1] : vector<1x512xf32> to vector<1xf32>
      %reduce_min3A_52 = vector.shape_cast %reduce_min3A_51 : vector<1xf32> to vector<1x1xf32>
      %reduce_min3A_53 = vector.extract %reduce_min3A_52[0, 0] : f32 from vector<1x1xf32>
      %swap3A_54 = arith.constant 0 : index
      %swap3A_55 = memref.load %arg7[%swap3A_54] : memref<10xf32, #tpu.memory_space<smem>>
      memref.store %reduce_min3A_53, %arg7[%swap3A_54] : memref<10xf32, #tpu.memory_space<smem>>
      %slice3A_56 = vector.extract_strided_slice %add3A_40 {offsets = [512, 0], sizes = [512, 1], strides = [1, 1]} : vector<5120x1xf32> to vector<512x1xf32>
      %squeeze3A_57 = vector.shape_cast %slice3A_56 : vector<512x1xf32> to vector<512xf32>
      %reduce_max3A_58 = vector.shape_cast %squeeze3A_57 : vector<512xf32> to vector<1x512xf32>
      %reduce_max3A_59 = arith.constant dense<0xFF800000> : vector<1xf32>
      %reduce_max3A_60 = vector.multi_reduction <maximumf>, %reduce_max3A_58, %reduce_max3A_59 [1] : vector<1x512xf32> to vector<1xf32>
      %reduce_max3A_61 = vector.shape_cast %reduce_max3A_60 : vector<1xf32> to vector<1x1xf32>
      %reduce_max3A_62 = vector.extract %reduce_max3A_61[0, 0] : f32 from vector<1x1xf32>
      %swap3A_63 = arith.constant 1 : index
      %swap3A_64 = memref.load %arg6[%swap3A_63] : memref<10xf32, #tpu.memory_space<smem>>
      memref.store %reduce_max3A_62, %arg6[%swap3A_63] : memref<10xf32, #tpu.memory_space<smem>>
      %slice3A_65 = vector.extract_strided_slice %sub3A {offsets = [512, 0], sizes = [512, 1], strides = [1, 1]} : vector<5120x1xf32> to vector<512x1xf32>
      %squeeze3A_66 = vector.shape_cast %slice3A_65 : vector<512x1xf32> to vector<512xf32>
      %reduce_min3A_67 = vector.shape_cast %squeeze3A_66 : vector<512xf32> to vector<1x512xf32>
      %reduce_min3A_68 = arith.constant dense<0x7F800000> : vector<1xf32>
      %reduce_min3A_69 = vector.multi_reduction <minimumf>, %reduce_min3A_67, %reduce_min3A_68 [1] : vector<1x512xf32> to vector<1xf32>
      %reduce_min3A_70 = vector.shape_cast %reduce_min3A_69 : vector<1xf32> to vector<1x1xf32>
      %reduce_min3A_71 = vector.extract %reduce_min3A_70[0, 0] : f32 from vector<1x1xf32>
      %swap3A_72 = arith.constant 1 : index
      %swap3A_73 = memref.load %arg7[%swap3A_72] : memref<10xf32, #tpu.memory_space<smem>>
      memref.store %reduce_min3A_71, %arg7[%swap3A_72] : memref<10xf32, #tpu.memory_space<smem>>
      %slice3A_74 = vector.extract_strided_slice %add3A_40 {offsets = [1024, 0], sizes = [512, 1], strides = [1, 1]} : vector<5120x1xf32> to vector<512x1xf32>
      %squeeze3A_75 = vector.shape_cast %slice3A_74 : vector<512x1xf32> to vector<512xf32>
      %reduce_max3A_76 = vector.shape_cast %squeeze3A_75 : vector<512xf32> to vector<1x512xf32>
      %reduce_max3A_77 = arith.constant dense<0xFF800000> : vector<1xf32>
      %reduce_max3A_78 = vector.multi_reduction <maximumf>, %reduce_max3A_76, %reduce_max3A_77 [1] : vector<1x512xf32> to vector<1xf32>
      %reduce_max3A_79 = vector.shape_cast %reduce_max3A_78 : vector<1xf32> to vector<1x1xf32>
      %reduce_max3A_80 = vector.extract %reduce_max3A_79[0, 0] : f32 from vector<1x1xf32>
      %swap3A_81 = arith.constant 2 : index
      %swap3A_82 = memref.load %arg6[%swap3A_81] : memref<10xf32, #tpu.memory_space<smem>>
      memref.store %reduce_max3A_80, %arg6[%swap3A_81] : memref<10xf32, #tpu.memory_space<smem>>
      %slice3A_83 = vector.extract_strided_slice %sub3A {offsets = [1024, 0], sizes = [512, 1], strides = [1, 1]} : vector<5120x1xf32> to vector<512x1xf32>
      %squeeze3A_84 = vector.shape_cast %slice3A_83 : vector<512x1xf32> to vector<512xf32>
      %reduce_min3A_85 = vector.shape_cast %squeeze3A_84 : vector<512xf32> to vector<1x512xf32>
      %reduce_min3A_86 = arith.constant dense<0x7F800000> : vector<1xf32>
      %reduce_min3A_87 = vector.multi_reduction <minimumf>, %reduce_min3A_85, %reduce_min3A_86 [1] : vector<1x512xf32> to vector<1xf32>
      %reduce_min3A_88 = vector.shape_cast %reduce_min3A_87 : vector<1xf32> to vector<1x1xf32>
      %reduce_min3A_89 = vector.extract %reduce_min3A_88[0, 0] : f32 from vector<1x1xf32>
      %swap3A_90 = arith.constant 2 : index
      %swap3A_91 = memref.load %arg7[%swap3A_90] : memref<10xf32, #tpu.memory_space<smem>>
      memref.store %reduce_min3A_89, %arg7[%swap3A_90] : memref<10xf32, #tpu.memory_space<smem>>
      %slice3A_92 = vector.extract_strided_slice %add3A_40 {offsets = [1536, 0], sizes = [512, 1], strides = [1, 1]} : vector<5120x1xf32> to vector<512x1xf32>
      %squeeze3A_93 = vector.shape_cast %slice3A_92 : vector<512x1xf32> to vector<512xf32>
      %reduce_max3A_94 = vector.shape_cast %squeeze3A_93 : vector<512xf32> to vector<1x512xf32>
      %reduce_max3A_95 = arith.constant dense<0xFF800000> : vector<1xf32>
      %reduce_max3A_96 = vector.multi_reduction <maximumf>, %reduce_max3A_94, %reduce_max3A_95 [1] : vector<1x512xf32> to vector<1xf32>
      %reduce_max3A_97 = vector.shape_cast %reduce_max3A_96 : vector<1xf32> to vector<1x1xf32>
      %reduce_max3A_98 = vector.extract %reduce_max3A_97[0, 0] : f32 from vector<1x1xf32>
      %swap3A_99 = arith.constant 3 : index
      %swap3A_100 = memref.load %arg6[%swap3A_99] : memref<10xf32, #tpu.memory_space<smem>>
      memref.store %reduce_max3A_98, %arg6[%swap3A_99] : memref<10xf32, #tpu.memory_space<smem>>
      %slice3A_101 = vector.extract_strided_slice %sub3A {offsets = [1536, 0], sizes = [512, 1], strides = [1, 1]} : vector<5120x1xf32> to vector<512x1xf32>
      %squeeze3A_102 = vector.shape_cast %slice3A_101 : vector<512x1xf32> to vector<512xf32>
      %reduce_min3A_103 = vector.shape_cast %squeeze3A_102 : vector<512xf32> to vector<1x512xf32>
      %reduce_min3A_104 = arith.constant dense<0x7F800000> : vector<1xf32>
      %reduce_min3A_105 = vector.multi_reduction <minimumf>, %reduce_min3A_103, %reduce_min3A_104 [1] : vector<1x512xf32> to vector<1xf32>
      %reduce_min3A_106 = vector.shape_cast %reduce_min3A_105 : vector<1xf32> to vector<1x1xf32>
      %reduce_min3A_107 = vector.extract %reduce_min3A_106[0, 0] : f32 from vector<1x1xf32>
      %swap3A_108 = arith.constant 3 : index
      %swap3A_109 = memref.load %arg7[%swap3A_108] : memref<10xf32, #tpu.memory_space<smem>>
      memref.store %reduce_min3A_107, %arg7[%swap3A_108] : memref<10xf32, #tpu.memory_space<smem>>
      %slice3A_110 = vector.extract_strided_slice %add3A_40 {offsets = [2048, 0], sizes = [512, 1], strides = [1, 1]} : vector<5120x1xf32> to vector<512x1xf32>
      %squeeze3A_111 = vector.shape_cast %slice3A_110 : vector<512x1xf32> to vector<512xf32>
      %reduce_max3A_112 = vector.shape_cast %squeeze3A_111 : vector<512xf32> to vector<1x512xf32>
      %reduce_max3A_113 = arith.constant dense<0xFF800000> : vector<1xf32>
      %reduce_max3A_114 = vector.multi_reduction <maximumf>, %reduce_max3A_112, %reduce_max3A_113 [1] : vector<1x512xf32> to vector<1xf32>
      %reduce_max3A_115 = vector.shape_cast %reduce_max3A_114 : vector<1xf32> to vector<1x1xf32>
      %reduce_max3A_116 = vector.extract %reduce_max3A_115[0, 0] : f32 from vector<1x1xf32>
      %swap3A_117 = arith.constant 4 : index
      %swap3A_118 = memref.load %arg6[%swap3A_117] : memref<10xf32, #tpu.memory_space<smem>>
      memref.store %reduce_max3A_116, %arg6[%swap3A_117] : memref<10xf32, #tpu.memory_space<smem>>
      %slice3A_119 = vector.extract_strided_slice %sub3A {offsets = [2048, 0], sizes = [512, 1], strides = [1, 1]} : vector<5120x1xf32> to vector<512x1xf32>
      %squeeze3A_120 = vector.shape_cast %slice3A_119 : vector<512x1xf32> to vector<512xf32>
      %reduce_min3A_121 = vector.shape_cast %squeeze3A_120 : vector<512xf32> to vector<1x512xf32>
      %reduce_min3A_122 = arith.constant dense<0x7F800000> : vector<1xf32>
      %reduce_min3A_123 = vector.multi_reduction <minimumf>, %reduce_min3A_121, %reduce_min3A_122 [1] : vector<1x512xf32> to vector<1xf32>
      %reduce_min3A_124 = vector.shape_cast %reduce_min3A_123 : vector<1xf32> to vector<1x1xf32>
      %reduce_min3A_125 = vector.extract %reduce_min3A_124[0, 0] : f32 from vector<1x1xf32>
      %swap3A_126 = arith.constant 4 : index
      %swap3A_127 = memref.load %arg7[%swap3A_126] : memref<10xf32, #tpu.memory_space<smem>>
      memref.store %reduce_min3A_125, %arg7[%swap3A_126] : memref<10xf32, #tpu.memory_space<smem>>
      %slice3A_128 = vector.extract_strided_slice %add3A_40 {offsets = [2560, 0], sizes = [512, 1], strides = [1, 1]} : vector<5120x1xf32> to vector<512x1xf32>
      %squeeze3A_129 = vector.shape_cast %slice3A_128 : vector<512x1xf32> to vector<512xf32>
      %reduce_max3A_130 = vector.shape_cast %squeeze3A_129 : vector<512xf32> to vector<1x512xf32>
      %reduce_max3A_131 = arith.constant dense<0xFF800000> : vector<1xf32>
      %reduce_max3A_132 = vector.multi_reduction <maximumf>, %reduce_max3A_130, %reduce_max3A_131 [1] : vector<1x512xf32> to vector<1xf32>
      %reduce_max3A_133 = vector.shape_cast %reduce_max3A_132 : vector<1xf32> to vector<1x1xf32>
      %reduce_max3A_134 = vector.extract %reduce_max3A_133[0, 0] : f32 from vector<1x1xf32>
      %swap3A_135 = arith.constant 5 : index
      %swap3A_136 = memref.load %arg6[%swap3A_135] : memref<10xf32, #tpu.memory_space<smem>>
      memref.store %reduce_max3A_134, %arg6[%swap3A_135] : memref<10xf32, #tpu.memory_space<smem>>
      %slice3A_137 = vector.extract_strided_slice %sub3A {offsets = [2560, 0], sizes = [512, 1], strides = [1, 1]} : vector<5120x1xf32> to vector<512x1xf32>
      %squeeze3A_138 = vector.shape_cast %slice3A_137 : vector<512x1xf32> to vector<512xf32>
      %reduce_min3A_139 = vector.shape_cast %squeeze3A_138 : vector<512xf32> to vector<1x512xf32>
      %reduce_min3A_140 = arith.constant dense<0x7F800000> : vector<1xf32>
      %reduce_min3A_141 = vector.multi_reduction <minimumf>, %reduce_min3A_139, %reduce_min3A_140 [1] : vector<1x512xf32> to vector<1xf32>
      %reduce_min3A_142 = vector.shape_cast %reduce_min3A_141 : vector<1xf32> to vector<1x1xf32>
      %reduce_min3A_143 = vector.extract %reduce_min3A_142[0, 0] : f32 from vector<1x1xf32>
      %swap3A_144 = arith.constant 5 : index
      %swap3A_145 = memref.load %arg7[%swap3A_144] : memref<10xf32, #tpu.memory_space<smem>>
      memref.store %reduce_min3A_143, %arg7[%swap3A_144] : memref<10xf32, #tpu.memory_space<smem>>
      %slice3A_146 = vector.extract_strided_slice %add3A_40 {offsets = [3072, 0], sizes = [512, 1], strides = [1, 1]} : vector<5120x1xf32> to vector<512x1xf32>
      %squeeze3A_147 = vector.shape_cast %slice3A_146 : vector<512x1xf32> to vector<512xf32>
      %reduce_max3A_148 = vector.shape_cast %squeeze3A_147 : vector<512xf32> to vector<1x512xf32>
      %reduce_max3A_149 = arith.constant dense<0xFF800000> : vector<1xf32>
      %reduce_max3A_150 = vector.multi_reduction <maximumf>, %reduce_max3A_148, %reduce_max3A_149 [1] : vector<1x512xf32> to vector<1xf32>
      %reduce_max3A_151 = vector.shape_cast %reduce_max3A_150 : vector<1xf32> to vector<1x1xf32>
      %reduce_max3A_152 = vector.extract %reduce_max3A_151[0, 0] : f32 from vector<1x1xf32>
      %swap3A_153 = arith.constant 6 : index
      %swap3A_154 = memref.load %arg6[%swap3A_153] : memref<10xf32, #tpu.memory_space<smem>>
      memref.store %reduce_max3A_152, %arg6[%swap3A_153] : memref<10xf32, #tpu.memory_space<smem>>
      %slice3A_155 = vector.extract_strided_slice %sub3A {offsets = [3072, 0], sizes = [512, 1], strides = [1, 1]} : vector<5120x1xf32> to vector<512x1xf32>
      %squeeze3A_156 = vector.shape_cast %slice3A_155 : vector<512x1xf32> to vector<512xf32>
      %reduce_min3A_157 = vector.shape_cast %squeeze3A_156 : vector<512xf32> to vector<1x512xf32>
      %reduce_min3A_158 = arith.constant dense<0x7F800000> : vector<1xf32>
      %reduce_min3A_159 = vector.multi_reduction <minimumf>, %reduce_min3A_157, %reduce_min3A_158 [1] : vector<1x512xf32> to vector<1xf32>
      %reduce_min3A_160 = vector.shape_cast %reduce_min3A_159 : vector<1xf32> to vector<1x1xf32>
      %reduce_min3A_161 = vector.extract %reduce_min3A_160[0, 0] : f32 from vector<1x1xf32>
      %swap3A_162 = arith.constant 6 : index
      %swap3A_163 = memref.load %arg7[%swap3A_162] : memref<10xf32, #tpu.memory_space<smem>>
      memref.store %reduce_min3A_161, %arg7[%swap3A_162] : memref<10xf32, #tpu.memory_space<smem>>
      %slice3A_164 = vector.extract_strided_slice %add3A_40 {offsets = [3584, 0], sizes = [512, 1], strides = [1, 1]} : vector<5120x1xf32> to vector<512x1xf32>
      %squeeze3A_165 = vector.shape_cast %slice3A_164 : vector<512x1xf32> to vector<512xf32>
      %reduce_max3A_166 = vector.shape_cast %squeeze3A_165 : vector<512xf32> to vector<1x512xf32>
      %reduce_max3A_167 = arith.constant dense<0xFF800000> : vector<1xf32>
      %reduce_max3A_168 = vector.multi_reduction <maximumf>, %reduce_max3A_166, %reduce_max3A_167 [1] : vector<1x512xf32> to vector<1xf32>
      %reduce_max3A_169 = vector.shape_cast %reduce_max3A_168 : vector<1xf32> to vector<1x1xf32>
      %reduce_max3A_170 = vector.extract %reduce_max3A_169[0, 0] : f32 from vector<1x1xf32>
      %swap3A_171 = arith.constant 7 : index
      %swap3A_172 = memref.load %arg6[%swap3A_171] : memref<10xf32, #tpu.memory_space<smem>>
      memref.store %reduce_max3A_170, %arg6[%swap3A_171] : memref<10xf32, #tpu.memory_space<smem>>
      %slice3A_173 = vector.extract_strided_slice %sub3A {offsets = [3584, 0], sizes = [512, 1], strides = [1, 1]} : vector<5120x1xf32> to vector<512x1xf32>
      %squeeze3A_174 = vector.shape_cast %slice3A_173 : vector<512x1xf32> to vector<512xf32>
      %reduce_min3A_175 = vector.shape_cast %squeeze3A_174 : vector<512xf32> to vector<1x512xf32>
      %reduce_min3A_176 = arith.constant dense<0x7F800000> : vector<1xf32>
      %reduce_min3A_177 = vector.multi_reduction <minimumf>, %reduce_min3A_175, %reduce_min3A_176 [1] : vector<1x512xf32> to vector<1xf32>
      %reduce_min3A_178 = vector.shape_cast %reduce_min3A_177 : vector<1xf32> to vector<1x1xf32>
      %reduce_min3A_179 = vector.extract %reduce_min3A_178[0, 0] : f32 from vector<1x1xf32>
      %swap3A_180 = arith.constant 7 : index
      %swap3A_181 = memref.load %arg7[%swap3A_180] : memref<10xf32, #tpu.memory_space<smem>>
      memref.store %reduce_min3A_179, %arg7[%swap3A_180] : memref<10xf32, #tpu.memory_space<smem>>
      %slice3A_182 = vector.extract_strided_slice %add3A_40 {offsets = [4096, 0], sizes = [512, 1], strides = [1, 1]} : vector<5120x1xf32> to vector<512x1xf32>
      %squeeze3A_183 = vector.shape_cast %slice3A_182 : vector<512x1xf32> to vector<512xf32>
      %reduce_max3A_184 = vector.shape_cast %squeeze3A_183 : vector<512xf32> to vector<1x512xf32>
      %reduce_max3A_185 = arith.constant dense<0xFF800000> : vector<1xf32>
      %reduce_max3A_186 = vector.multi_reduction <maximumf>, %reduce_max3A_184, %reduce_max3A_185 [1] : vector<1x512xf32> to vector<1xf32>
      %reduce_max3A_187 = vector.shape_cast %reduce_max3A_186 : vector<1xf32> to vector<1x1xf32>
      %reduce_max3A_188 = vector.extract %reduce_max3A_187[0, 0] : f32 from vector<1x1xf32>
      %swap3A_189 = arith.constant 8 : index
      %swap3A_190 = memref.load %arg6[%swap3A_189] : memref<10xf32, #tpu.memory_space<smem>>
      memref.store %reduce_max3A_188, %arg6[%swap3A_189] : memref<10xf32, #tpu.memory_space<smem>>
      %slice3A_191 = vector.extract_strided_slice %sub3A {offsets = [4096, 0], sizes = [512, 1], strides = [1, 1]} : vector<5120x1xf32> to vector<512x1xf32>
      %squeeze3A_192 = vector.shape_cast %slice3A_191 : vector<512x1xf32> to vector<512xf32>
      %reduce_min3A_193 = vector.shape_cast %squeeze3A_192 : vector<512xf32> to vector<1x512xf32>
      %reduce_min3A_194 = arith.constant dense<0x7F800000> : vector<1xf32>
      %reduce_min3A_195 = vector.multi_reduction <minimumf>, %reduce_min3A_193, %reduce_min3A_194 [1] : vector<1x512xf32> to vector<1xf32>
      %reduce_min3A_196 = vector.shape_cast %reduce_min3A_195 : vector<1xf32> to vector<1x1xf32>
      %reduce_min3A_197 = vector.extract %reduce_min3A_196[0, 0] : f32 from vector<1x1xf32>
      %swap3A_198 = arith.constant 8 : index
      %swap3A_199 = memref.load %arg7[%swap3A_198] : memref<10xf32, #tpu.memory_space<smem>>
      memref.store %reduce_min3A_197, %arg7[%swap3A_198] : memref<10xf32, #tpu.memory_space<smem>>
      %slice3A_200 = vector.extract_strided_slice %add3A_40 {offsets = [4608, 0], sizes = [512, 1], strides = [1, 1]} : vector<5120x1xf32> to vector<512x1xf32>
      %squeeze3A_201 = vector.shape_cast %slice3A_200 : vector<512x1xf32> to vector<512xf32>
      %reduce_max3A_202 = vector.shape_cast %squeeze3A_201 : vector<512xf32> to vector<1x512xf32>
      %reduce_max3A_203 = arith.constant dense<0xFF800000> : vector<1xf32>
      %reduce_max3A_204 = vector.multi_reduction <maximumf>, %reduce_max3A_202, %reduce_max3A_203 [1] : vector<1x512xf32> to vector<1xf32>
      %reduce_max3A_205 = vector.shape_cast %reduce_max3A_204 : vector<1xf32> to vector<1x1xf32>
      %reduce_max3A_206 = vector.extract %reduce_max3A_205[0, 0] : f32 from vector<1x1xf32>
      %swap3A_207 = arith.constant 9 : index
      %swap3A_208 = memref.load %arg6[%swap3A_207] : memref<10xf32, #tpu.memory_space<smem>>
      memref.store %reduce_max3A_206, %arg6[%swap3A_207] : memref<10xf32, #tpu.memory_space<smem>>
      %slice3A_209 = vector.extract_strided_slice %sub3A {offsets = [4608, 0], sizes = [512, 1], strides = [1, 1]} : vector<5120x1xf32> to vector<512x1xf32>
      %squeeze3A_210 = vector.shape_cast %slice3A_209 : vector<512x1xf32> to vector<512xf32>
      %reduce_min3A_211 = vector.shape_cast %squeeze3A_210 : vector<512xf32> to vector<1x512xf32>
      %reduce_min3A_212 = arith.constant dense<0x7F800000> : vector<1xf32>
      %reduce_min3A_213 = vector.multi_reduction <minimumf>, %reduce_min3A_211, %reduce_min3A_212 [1] : vector<1x512xf32> to vector<1xf32>
      %reduce_min3A_214 = vector.shape_cast %reduce_min3A_213 : vector<1xf32> to vector<1x1xf32>
      %reduce_min3A_215 = vector.extract %reduce_min3A_214[0, 0] : f32 from vector<1x1xf32>
      %swap3A_216 = arith.constant 9 : index
      %swap3A_217 = memref.load %arg7[%swap3A_216] : memref<10xf32, #tpu.memory_space<smem>>
      memref.store %reduce_min3A_215, %arg7[%swap3A_216] : memref<10xf32, #tpu.memory_space<smem>>
    } else {
    }
    %eq3A_7 = arith.cmpi eq, %get3A_1, %get3A_4 : i32
    %get3A_8 = arith.index_cast %get3A_4 : i32 to index
    %get3A_9 = memref.load %arg7[%get3A_8] : memref<10xf32, #tpu.memory_space<smem>>
    %get3A_10 = arith.index_cast %get3A_1 : i32 to index
    %get3A_11 = memref.load %arg6[%get3A_10] : memref<10xf32, #tpu.memory_space<smem>>
    %le3A = arith.cmpf ole, %get3A_9, %get3A_11 : f32
    %or3A = arith.ori %eq3A_7, %le3A : i1
    %convert_element_type3A_12 = arith.extui %or3A : i1 to i32
    %cond3A_13 = arith.constant 0 : i32
    %cond3A_14 = arith.cmpi ne, %convert_element_type3A_12, %cond3A_13 : i32
    scf.if %cond3A_14 {
      %mul3A = arith.constant 512 : i32
      %mul3A_15 = arith.muli %get3A_1, %mul3A : i32
      %get3A_16 = arith.index_cast %mul3A_15 : i32 to index
      %get3A_17 = arith.constant 0 : index
      %get3A_18 = vector.load %arg2[%get3A_16, %get3A_17] : memref<5120x128xf32, #tpu.memory_space<vmem>>, vector<512x128xf32>
      %mul3A_19 = arith.constant 512 : i32
      %mul3A_20 = arith.muli %get3A_4, %mul3A_19 : i32
      %get3A_21 = arith.constant 0 : index
      %get3A_22 = arith.index_cast %mul3A_20 : i32 to index
      %get3A_23 = vector.load %arg3[%get3A_21, %get3A_22] : memref<8x5120xf32, #tpu.memory_space<vmem>>, vector<8x512xf32>
      %slice3A = vector.extract_strided_slice %get3A_18 {offsets = [0, 0], sizes = [512, 1], strides = [1, 1]} : vector<512x128xf32> to vector<512x1xf32>
      %mul3A_24 = arith.constant 1.000000e+02 : f32
      %mul3A_25 = vector.broadcast %mul3A_24 : f32 to vector<512x1xf32>
      %mul3A_26 = arith.mulf %slice3A, %mul3A_25 : vector<512x1xf32>
      %slice3A_27 = vector.extract_strided_slice %get3A_18 {offsets = [0, 1], sizes = [512, 1], strides = [1, 1]} : vector<512x128xf32> to vector<512x1xf32>
      %mul3A_28 = arith.constant 1.000000e+02 : f32
      %mul3A_29 = vector.broadcast %mul3A_28 : f32 to vector<512x1xf32>
      %mul3A_30 = arith.mulf %slice3A_27, %mul3A_29 : vector<512x1xf32>
      %slice3A_31 = vector.extract_strided_slice %get3A_18 {offsets = [0, 2], sizes = [512, 1], strides = [1, 1]} : vector<512x128xf32> to vector<512x1xf32>
      %mul3A_32 = arith.constant 1.000000e+01 : f32
      %mul3A_33 = vector.broadcast %mul3A_32 : f32 to vector<512x1xf32>
      %mul3A_34 = arith.mulf %slice3A_31, %mul3A_33 : vector<512x1xf32>
      %add3A = arith.constant 1.000000e-03 : f32
      %add3A_35 = vector.broadcast %add3A : f32 to vector<512x1xf32>
      %add3A_36 = arith.addf %mul3A_34, %add3A_35 : vector<512x1xf32>
      %slice3A_37 = vector.extract_strided_slice %get3A_18 {offsets = [0, 3], sizes = [512, 1], strides = [1, 1]} : vector<512x128xf32> to vector<512x1xf32>
      %mul3A_38 = arith.constant 1.000000e+01 : f32
      %mul3A_39 = vector.broadcast %mul3A_38 : f32 to vector<512x1xf32>
      %mul3A_40 = arith.mulf %slice3A_37, %mul3A_39 : vector<512x1xf32>
      %add3A_41 = arith.constant 1.000000e-03 : f32
      %add3A_42 = vector.broadcast %add3A_41 : f32 to vector<512x1xf32>
      %add3A_43 = arith.addf %mul3A_40, %add3A_42 : vector<512x1xf32>
      %mul3A_44 = arith.constant 5.000000e-01 : f32
      %mul3A_45 = vector.broadcast %mul3A_44 : f32 to vector<512x1xf32>
      %mul3A_46 = arith.mulf %add3A_36, %mul3A_45 : vector<512x1xf32>
      %sub3A = arith.subf %mul3A_26, %mul3A_46 : vector<512x1xf32>
      %mul3A_47 = arith.constant 5.000000e-01 : f32
      %mul3A_48 = vector.broadcast %mul3A_47 : f32 to vector<512x1xf32>
      %mul3A_49 = arith.mulf %add3A_36, %mul3A_48 : vector<512x1xf32>
      %add3A_50 = arith.addf %mul3A_26, %mul3A_49 : vector<512x1xf32>
      %mul3A_51 = arith.constant 5.000000e-01 : f32
      %mul3A_52 = vector.broadcast %mul3A_51 : f32 to vector<512x1xf32>
      %mul3A_53 = arith.mulf %add3A_43, %mul3A_52 : vector<512x1xf32>
      %sub3A_54 = arith.subf %mul3A_30, %mul3A_53 : vector<512x1xf32>
      %mul3A_55 = arith.constant 5.000000e-01 : f32
      %mul3A_56 = vector.broadcast %mul3A_55 : f32 to vector<512x1xf32>
      %mul3A_57 = arith.mulf %add3A_43, %mul3A_56 : vector<512x1xf32>
      %add3A_58 = arith.addf %mul3A_30, %mul3A_57 : vector<512x1xf32>
      %mul3A_59 = arith.mulf %add3A_36, %add3A_43 : vector<512x1xf32>
      %slice3A_60 = vector.extract_strided_slice %get3A_18 {offsets = [0, 4], sizes = [512, 1], strides = [1, 1]} : vector<512x128xf32> to vector<512x1xf32>
      %slice3A_61 = vector.extract_strided_slice %get3A_23 {offsets = [0, 0], sizes = [1, 512], strides = [1, 1]} : vector<8x512xf32> to vector<1x512xf32>
      %mul3A_62 = arith.constant 1.000000e+02 : f32
      %mul3A_63 = vector.broadcast %mul3A_62 : f32 to vector<1x512xf32>
      %mul3A_64 = arith.mulf %slice3A_61, %mul3A_63 : vector<1x512xf32>
      %slice3A_65 = vector.extract_strided_slice %get3A_23 {offsets = [1, 0], sizes = [1, 512], strides = [1, 1]} : vector<8x512xf32> to vector<1x512xf32>
      %mul3A_66 = arith.constant 1.000000e+02 : f32
      %mul3A_67 = vector.broadcast %mul3A_66 : f32 to vector<1x512xf32>
      %mul3A_68 = arith.mulf %slice3A_65, %mul3A_67 : vector<1x512xf32>
      %slice3A_69 = vector.extract_strided_slice %get3A_23 {offsets = [2, 0], sizes = [1, 512], strides = [1, 1]} : vector<8x512xf32> to vector<1x512xf32>
      %mul3A_70 = arith.constant 1.000000e+01 : f32
      %mul3A_71 = vector.broadcast %mul3A_70 : f32 to vector<1x512xf32>
      %mul3A_72 = arith.mulf %slice3A_69, %mul3A_71 : vector<1x512xf32>
      %add3A_73 = arith.constant 1.000000e-03 : f32
      %add3A_74 = vector.broadcast %add3A_73 : f32 to vector<1x512xf32>
      %add3A_75 = arith.addf %mul3A_72, %add3A_74 : vector<1x512xf32>
      %slice3A_76 = vector.extract_strided_slice %get3A_23 {offsets = [3, 0], sizes = [1, 512], strides = [1, 1]} : vector<8x512xf32> to vector<1x512xf32>
      %mul3A_77 = arith.constant 1.000000e+01 : f32
      %mul3A_78 = vector.broadcast %mul3A_77 : f32 to vector<1x512xf32>
      %mul3A_79 = arith.mulf %slice3A_76, %mul3A_78 : vector<1x512xf32>
      %add3A_80 = arith.constant 1.000000e-03 : f32
      %add3A_81 = vector.broadcast %add3A_80 : f32 to vector<1x512xf32>
      %add3A_82 = arith.addf %mul3A_79, %add3A_81 : vector<1x512xf32>
      %mul3A_83 = arith.constant 5.000000e-01 : f32
      %mul3A_84 = vector.broadcast %mul3A_83 : f32 to vector<1x512xf32>
      %mul3A_85 = arith.mulf %add3A_75, %mul3A_84 : vector<1x512xf32>
      %sub3A_86 = arith.subf %mul3A_64, %mul3A_85 : vector<1x512xf32>
      %mul3A_87 = arith.constant 5.000000e-01 : f32
      %mul3A_88 = vector.broadcast %mul3A_87 : f32 to vector<1x512xf32>
      %mul3A_89 = arith.mulf %add3A_75, %mul3A_88 : vector<1x512xf32>
      %add3A_90 = arith.addf %mul3A_64, %mul3A_89 : vector<1x512xf32>
      %mul3A_91 = arith.constant 5.000000e-01 : f32
      %mul3A_92 = vector.broadcast %mul3A_91 : f32 to vector<1x512xf32>
      %mul3A_93 = arith.mulf %add3A_82, %mul3A_92 : vector<1x512xf32>
      %sub3A_94 = arith.subf %mul3A_68, %mul3A_93 : vector<1x512xf32>
      %mul3A_95 = arith.constant 5.000000e-01 : f32
      %mul3A_96 = vector.broadcast %mul3A_95 : f32 to vector<1x512xf32>
      %mul3A_97 = arith.mulf %add3A_82, %mul3A_96 : vector<1x512xf32>
      %add3A_98 = arith.addf %mul3A_68, %mul3A_97 : vector<1x512xf32>
      %mul3A_99 = arith.mulf %add3A_75, %add3A_82 : vector<1x512xf32>
      %add3A_100 = arith.constant 9.99999993E-9 : f32
      %add3A_101 = vector.broadcast %add3A_100 : f32 to vector<1x512xf32>
      %add3A_102 = arith.addf %mul3A_99, %add3A_101 : vector<1x512xf32>
      %slice3A_103 = vector.extract_strided_slice %get3A_23 {offsets = [4, 0], sizes = [1, 512], strides = [1, 1]} : vector<8x512xf32> to vector<1x512xf32>
      %min3A = vector.broadcast %add3A_50 : vector<512x1xf32> to vector<512x512xf32>
      %min3A_104 = vector.broadcast %add3A_90 : vector<1x512xf32> to vector<512x512xf32>
      %min3A_105 = arith.minimumf %min3A, %min3A_104 : vector<512x512xf32>
      %max3A = vector.broadcast %sub3A : vector<512x1xf32> to vector<512x512xf32>
      %max3A_106 = vector.broadcast %sub3A_86 : vector<1x512xf32> to vector<512x512xf32>
      %max3A_107 = arith.maximumf %max3A, %max3A_106 : vector<512x512xf32>
      %sub3A_108 = arith.subf %min3A_105, %max3A_107 : vector<512x512xf32>
      %max3A_109 = arith.constant 0.000000e+00 : f32
      %max3A_110 = vector.broadcast %max3A_109 : f32 to vector<512x512xf32>
      %max3A_111 = arith.maximumf %sub3A_108, %max3A_110 : vector<512x512xf32>
      %min3A_112 = vector.broadcast %add3A_58 : vector<512x1xf32> to vector<512x512xf32>
      %min3A_113 = vector.broadcast %add3A_98 : vector<1x512xf32> to vector<512x512xf32>
      %min3A_114 = arith.minimumf %min3A_112, %min3A_113 : vector<512x512xf32>
      %max3A_115 = vector.broadcast %sub3A_54 : vector<512x1xf32> to vector<512x512xf32>
      %max3A_116 = vector.broadcast %sub3A_94 : vector<1x512xf32> to vector<512x512xf32>
      %max3A_117 = arith.maximumf %max3A_115, %max3A_116 : vector<512x512xf32>
      %sub3A_118 = arith.subf %min3A_114, %max3A_117 : vector<512x512xf32>
      %max3A_119 = arith.constant 0.000000e+00 : f32
      %max3A_120 = vector.broadcast %max3A_119 : f32 to vector<512x512xf32>
      %max3A_121 = arith.maximumf %sub3A_118, %max3A_120 : vector<512x512xf32>
      %mul3A_122 = arith.mulf %max3A_111, %max3A_121 : vector<512x512xf32>
      %add3A_123 = vector.broadcast %mul3A_59 : vector<512x1xf32> to vector<512x512xf32>
      %add3A_124 = vector.broadcast %add3A_102 : vector<1x512xf32> to vector<512x512xf32>
      %add3A_125 = arith.addf %add3A_123, %add3A_124 : vector<512x512xf32>
      %sub3A_126 = arith.subf %add3A_125, %mul3A_122 : vector<512x512xf32>
      %div3A = arith.divf %mul3A_122, %sub3A_126 : vector<512x512xf32>
      %mul3A_127 = arith.mulf %div3A, %div3A : vector<512x512xf32>
      %gt3A = vector.broadcast %slice3A_103 : vector<1x512xf32> to vector<512x512xf32>
      %gt3A_128 = vector.broadcast %slice3A_60 : vector<512x1xf32> to vector<512x512xf32>
      %gt3A_129 = arith.cmpf ogt, %gt3A, %gt3A_128 : vector<512x512xf32>
      %jit3A = arith.constant 0.000000e+00 : f32
      %broadcast_in_dim3A = vector.broadcast %jit3A : f32 to vector<512x512xf32>
      %select_n3A = arith.select %gt3A_129, %mul3A_127, %broadcast_in_dim3A : vector<512x512xi1>, vector<512x512xf32>
      %slice3A_130 = vector.extract_strided_slice %select_n3A {offsets = [0, 0], sizes = [512, 256], strides = [1, 1]} : vector<512x512xf32> to vector<512x256xf32>
      %slice3A_131 = vector.extract_strided_slice %select_n3A {offsets = [0, 256], sizes = [512, 256], strides = [1, 1]} : vector<512x512xf32> to vector<512x256xf32>
      %add3A_132 = arith.addf %slice3A_130, %slice3A_131 : vector<512x256xf32>
      %slice3A_133 = vector.extract_strided_slice %add3A_132 {offsets = [0, 0], sizes = [512, 128], strides = [1, 1]} : vector<512x256xf32> to vector<512x128xf32>
      %slice3A_134 = vector.extract_strided_slice %add3A_132 {offsets = [0, 128], sizes = [512, 128], strides = [1, 1]} : vector<512x256xf32> to vector<512x128xf32>
      %add3A_135 = arith.addf %slice3A_133, %slice3A_134 : vector<512x128xf32>
      %mul3A_136 = arith.constant 512 : i32
      %mul3A_137 = arith.muli %get3A_1, %mul3A_136 : i32
      %get3A_138 = arith.index_cast %mul3A_137 : i32 to index
      %get3A_139 = arith.constant 0 : index
      %get3A_140 = vector.load %arg4[%get3A_138, %get3A_139] : memref<5120x128xf32, #tpu.memory_space<vmem>>, vector<512x128xf32>
      %add3A_141 = arith.addf %get3A_140, %add3A_135 : vector<512x128xf32>
      %swap3A = arith.index_cast %mul3A_137 : i32 to index
      %swap3A_142 = arith.constant 0 : index
      %swap3A_143 = vector.load %arg4[%swap3A, %swap3A_142] : memref<5120x128xf32, #tpu.memory_space<vmem>>, vector<512x128xf32>
      tpu.vector_store %arg4[%swap3A, %swap3A_142], %add3A_141 {strides = array<i32>} : memref<5120x128xf32, #tpu.memory_space<vmem>>, vector<512x128xf32>,
      %ne3A = arith.cmpi ne, %get3A_4, %get3A_1 : i32
      %convert_element_type3A_144 = arith.extui %ne3A : i1 to i32
      %cond3A_145 = arith.constant 0 : i32
      %cond3A_146 = arith.cmpi ne, %convert_element_type3A_144, %cond3A_145 : i32
      scf.if %cond3A_146 {
        %gt3A_147 = vector.broadcast %slice3A_60 : vector<512x1xf32> to vector<512x512xf32>
        %gt3A_148 = vector.broadcast %slice3A_103 : vector<1x512xf32> to vector<512x512xf32>
        %gt3A_149 = arith.cmpf ogt, %gt3A_147, %gt3A_148 : vector<512x512xf32>
        %jit3A_150 = arith.constant 0.000000e+00 : f32
        %broadcast_in_dim3A_151 = vector.broadcast %jit3A_150 : f32 to vector<512x512xf32>
        %select_n3A_152 = arith.select %gt3A_149, %mul3A_127, %broadcast_in_dim3A_151 : vector<512x512xi1>, vector<512x512xf32>
        %slice3A_153 = vector.extract_strided_slice %select_n3A_152 {offsets = [0, 0], sizes = [256, 512], strides = [1, 1]} : vector<512x512xf32> to vector<256x512xf32>
        %slice3A_154 = vector.extract_strided_slice %select_n3A_152 {offsets = [256, 0], sizes = [256, 512], strides = [1, 1]} : vector<512x512xf32> to vector<256x512xf32>
        %add3A_155 = arith.addf %slice3A_153, %slice3A_154 : vector<256x512xf32>
        %slice3A_156 = vector.extract_strided_slice %add3A_155 {offsets = [0, 0], sizes = [128, 512], strides = [1, 1]} : vector<256x512xf32> to vector<128x512xf32>
        %slice3A_157 = vector.extract_strided_slice %add3A_155 {offsets = [128, 0], sizes = [128, 512], strides = [1, 1]} : vector<256x512xf32> to vector<128x512xf32>
        %add3A_158 = arith.addf %slice3A_156, %slice3A_157 : vector<128x512xf32>
        %slice3A_159 = vector.extract_strided_slice %add3A_158 {offsets = [0, 0], sizes = [64, 512], strides = [1, 1]} : vector<128x512xf32> to vector<64x512xf32>
        %slice3A_160 = vector.extract_strided_slice %add3A_158 {offsets = [64, 0], sizes = [64, 512], strides = [1, 1]} : vector<128x512xf32> to vector<64x512xf32>
        %add3A_161 = arith.addf %slice3A_159, %slice3A_160 : vector<64x512xf32>
        %slice3A_162 = vector.extract_strided_slice %add3A_161 {offsets = [0, 0], sizes = [32, 512], strides = [1, 1]} : vector<64x512xf32> to vector<32x512xf32>
        %slice3A_163 = vector.extract_strided_slice %add3A_161 {offsets = [32, 0], sizes = [32, 512], strides = [1, 1]} : vector<64x512xf32> to vector<32x512xf32>
        %add3A_164 = arith.addf %slice3A_162, %slice3A_163 : vector<32x512xf32>
        %slice3A_165 = vector.extract_strided_slice %add3A_164 {offsets = [0, 0], sizes = [16, 512], strides = [1, 1]} : vector<32x512xf32> to vector<16x512xf32>
        %slice3A_166 = vector.extract_strided_slice %add3A_164 {offsets = [16, 0], sizes = [16, 512], strides = [1, 1]} : vector<32x512xf32> to vector<16x512xf32>
        %add3A_167 = arith.addf %slice3A_165, %slice3A_166 : vector<16x512xf32>
        %slice3A_168 = vector.extract_strided_slice %add3A_167 {offsets = [0, 0], sizes = [8, 512], strides = [1, 1]} : vector<16x512xf32> to vector<8x512xf32>
        %slice3A_169 = vector.extract_strided_slice %add3A_167 {offsets = [8, 0], sizes = [8, 512], strides = [1, 1]} : vector<16x512xf32> to vector<8x512xf32>
        %add3A_170 = arith.addf %slice3A_168, %slice3A_169 : vector<8x512xf32>
        %mul3A_171 = arith.constant 512 : i32
        %mul3A_172 = arith.muli %get3A_4, %mul3A_171 : i32
        %get3A_173 = arith.constant 0 : index
        %get3A_174 = arith.index_cast %mul3A_172 : i32 to index
        %get3A_175 = vector.load %arg5[%get3A_173, %get3A_174] : memref<8x5120xf32, #tpu.memory_space<vmem>>, vector<8x512xf32>
        %add3A_176 = arith.addf %get3A_175, %add3A_170 : vector<8x512xf32>
        %swap3A_177 = arith.constant 0 : index
        %swap3A_178 = arith.index_cast %mul3A_172 : i32 to index
        %swap3A_179 = vector.load %arg5[%swap3A_177, %swap3A_178] : memref<8x5120xf32, #tpu.memory_space<vmem>>, vector<8x512xf32>
        tpu.vector_store %arg5[%swap3A_177, %swap3A_178], %add3A_176 {strides = array<i32>} : memref<8x5120xf32, #tpu.memory_space<vmem>>, vector<8x512xf32>,
      } else {
      }
    } else {
    }
    return
  }
  func.func @transform_0(%arg0: i32, %arg1: memref<2x55xi32, #tpu.memory_space<smem>>) -> (i32, i32) {
    %c0_i32 = arith.constant 0 : i32
    %c0_i32_0 = arith.constant 0 : i32
    %c0_i32_1 = arith.constant 0 : i32
    return %c0_i32, %c0_i32_0 : i32, i32
  }
  func.func @transform_1(%arg0: i32, %arg1: memref<2x55xi32, #tpu.memory_space<smem>>) -> (i32, i32) {
    %c0_i32 = arith.constant 0 : i32
    %c0_i32_0 = arith.constant 0 : i32
    %c0_i32_1 = arith.constant 0 : i32
    return %c0_i32, %c0_i32_0 : i32, i32
  }
  func.func @transform_2(%arg0: i32, %arg1: memref<2x55xi32, #tpu.memory_space<smem>>) -> (i32, i32) {
    %c0_i32 = arith.constant 0 : i32
    %c0_i32_0 = arith.constant 0 : i32
    %c0_i32_1 = arith.constant 0 : i32
    return %c0_i32, %c0_i32_0 : i32, i32
  }
  func.func @transform_3(%arg0: i32, %arg1: memref<2x55xi32, #tpu.memory_space<smem>>) -> (i32, i32) {
    %c0_i32 = arith.constant 0 : i32
    %c0_i32_0 = arith.constant 0 : i32
    %c0_i32_1 = arith.constant 0 : i32
    return %c0_i32, %c0_i32_0 : i32, i32
  }
}

module attributes {stable_mosaic.version = 14 : i64} {
  func.func @_final_kernel(%arg0: memref<5120x128xf32, #tpu.memory_space<vmem>>, %arg1: memref<5120x8xf32, #tpu.memory_space<vmem>>, %arg2: memref<5120x1xf32, #tpu.memory_space<vmem>>, %arg3: memref<5120x128xf32, #tpu.memory_space<vmem>>) attributes {dimension_semantics = [], scalar_prefetch = 0 : i64, scratch_operands = 0 : i64, tpu.core_type = #tpu.core_type<tc>} {
    %get3A = arith.constant 0 : index
    %get3A_0 = arith.constant 0 : index
    %get3A_1 = vector.load %arg0[%get3A, %get3A_0] : memref<5120x128xf32, #tpu.memory_space<vmem>>, vector<5120x128xf32>
    %reduce_sum3A = arith.constant dense<0.000000e+00> : vector<5120xf32>
    %reduce_sum3A_2 = vector.multi_reduction <add>, %get3A_1, %reduce_sum3A [1] : vector<5120x128xf32> to vector<5120xf32>
    %broadcast_in_dim3A = vector.shape_cast %reduce_sum3A_2 : vector<5120xf32> to vector<5120x1xf32>
    %get3A_3 = arith.constant 0 : index
    %get3A_4 = arith.constant 0 : index
    %get3A_5 = vector.load %arg1[%get3A_3, %get3A_4] : memref<5120x8xf32, #tpu.memory_space<vmem>>, vector<5120x8xf32>
    %reduce_sum3A_6 = arith.constant dense<0.000000e+00> : vector<5120xf32>
    %reduce_sum3A_7 = vector.multi_reduction <add>, %get3A_5, %reduce_sum3A_6 [1] : vector<5120x8xf32> to vector<5120xf32>
    %broadcast_in_dim3A_8 = vector.shape_cast %reduce_sum3A_7 : vector<5120xf32> to vector<5120x1xf32>
    %add3A = arith.addf %broadcast_in_dim3A, %broadcast_in_dim3A_8 : vector<5120x1xf32>
    %get3A_9 = arith.constant 0 : index
    %get3A_10 = arith.constant 0 : index
    %get3A_11 = vector.load %arg2[%get3A_9, %get3A_10] : memref<5120x1xf32, #tpu.memory_space<vmem>>, vector<5120x1xf32>
    %neg3A = arith.constant 0.000000e+00 : f32
    %neg3A_12 = vector.broadcast %neg3A : f32 to vector<5120x1xf32>
    %neg3A_13 = arith.subf %neg3A_12, %add3A : vector<5120x1xf32>
    %div3A = arith.constant 5.000000e-01 : f32
    %div3A_14 = vector.broadcast %div3A : f32 to vector<5120x1xf32>
    %div3A_15 = arith.divf %neg3A_13, %div3A_14 : vector<5120x1xf32>
    %exp3A = math.exp %div3A_15 : vector<5120x1xf32>
    %mul3A = arith.mulf %get3A_11, %exp3A : vector<5120x1xf32>
    %gt3A = arith.constant 1.000000e-01 : f32
    %gt3A_16 = vector.broadcast %gt3A : f32 to vector<5120x1xf32>
    %gt3A_17 = arith.cmpf ogt, %mul3A, %gt3A_16 : vector<5120x1xf32>
    %jit3A = arith.constant 0.000000e+00 : f32
    %broadcast_in_dim3A_18 = vector.broadcast %jit3A : f32 to vector<5120x1xf32>
    %select_n3A = arith.select %gt3A_17, %mul3A, %broadcast_in_dim3A_18 : vector<5120x1xi1>, vector<5120x1xf32>
    %swap3A = arith.constant 0 : index
    %swap3A_19 = arith.constant 0 : index
    %swap3A_20 = vector.load %arg3[%swap3A, %swap3A_19] : memref<5120x128xf32, #tpu.memory_space<vmem>>, vector<5120x1xf32>
    tpu.vector_store %arg3[%swap3A, %swap3A_19], %select_n3A {strides = array<i32>} : memref<5120x128xf32, #tpu.memory_space<vmem>>, vector<5120x1xf32>,
    return
  }
}

</mosaic_0001>

<sc_bundles>
// kernel: kernel.10.cloned.1.call-start
scs
__scs_entry_jumppad:
0x0: {  	(pc) =	sbr.rel $0x88, $3  }
0x1: {  	(tag) =	ssettag $0x0;
	lr =	simm.s32 $0x1  }
0x2: {  	[smem:$0x3F9F] =	sst lr;
	_ =	strace $0xD0000000  }
0x3: {  	_ = 	snop  }
0x4: {  	_ = 	snop  }
0x5: {  	_ = 	snop  }
0x6: {  	_ = 	snop  }
0x7: {  	_ = 	snop  }
__scs_overlays_trampoline_lowered:
0x8: {  	[smem:$0x3FAE] =	sst s0  }
0x9: {  	[smem:$0x3FAF] =	sst s1  }
0xa: {  	[smem:$0x3FB0] =	sst s2  }
0xb: {  	[smem:$0x3FB1] =	sst s3  }
0xc: {  	[smem:$0x3FB2] =	sst s4  }
0xd: {  	[smem:$0x3FB3] =	sst s5  }
0xe: {  	[smem:$0x3FB4] =	sst s6  }
0xf: {  	[smem:$0x3FB5] =	sst s7  }
0x10: {  	[smem:$0x3FB6] =	sst s8  }
0x11: {  	[smem:$0x3FB7] =	sst s9;
	s0 =	simm.s32 @!p0 $0x0  }
0x12: {  	s1 =	sld [smem:$0x3F9D];
	s0 =	simm.s32 @p0 $0x1  }
0x13: {  	[smem:$0x3FB8] =	sst s0;
	s0 =	simm.s32 @!p1 $0x0  }
0x14: {  	s2 =	sld [smem:$0x3F9C];
	s0 =	simm.s32 @p1 $0x1  }
0x15: {  	[smem:$0x3FB9] =	sst s0;
	s0 =	simm.s32 @!p2 $0x0  }
0x16: {  	s3 =	sld [smem:$0x3FDB];
	s0 =	simm.s32 @p2 $0x1  }
0x17: {  	s4 =	simm.s32 $0x1BF5;
	[smem:$0x3FBB] =	sst s0  }
0x18: {  	s0 =	sld [smem:$0x3F9E];
	_ =	swait.ge [sflag:s4], $0x0  }
0x19: {  	s7 =	sld [smem:$0x3F9F]  }
0x1a: {  	s8 =	sadd.s32 $0xFFFFE003, lr  }
0x1b: {  	s9 =	sadd.s32 $0xFFFFFEF7, lr;
	s5 =	simm.s32 $0xFFFFFFFF;
	p2 =	slt.u32 s8, $0xFFFFF086  }
0x1c: {  	p1 =	slt.u32 s9, $0xF7A;
	s5 =	simm.s32 @!p2 $0x0  }
0x1d: {  	s5 =	simm.s32 @p1 $0x1;
	p0 =	seq.s32 s7, s2  }
0x1e: {  	s7 =	smul.u32 @!p0 $0xF7A, s2;
	p2 =	seq.s32 @!p0 s5, $0x0  }
0x1f: {  	s9 =	smul.u32 $0xF7A, s1;
	s8 =	simm.s32 @!p0 $0x1BF5;
	p2 =	por !p2, p0  }
0x20: {  	[sflag:s8] =	ssyncset.s32 @!p0 $0xFFFFF086;
	s6 =	sadd.s32 @!p0 s3, s7;
	s7 =	simm.s32 @!p0 $0x108  }
0x21: {  	s3 =	sadd.s32 s3, s9;
	s6 =	sadd.s32 @!p0 $0x88, s6;
	s7 =	simm.s32 @p2 $0x1082  }
0x22: {  	[simem:s7], [sflag:s8] =	dma.local @!p0 [hbm:s6], $0xF7A  }
0x23: {  	s9 =	sor.u32 $0xD0000000, s2;
	s6 =	simm.s32 $0x108;
	_ =	swait.ge @!p0 [sflag:s8], $0x0  }
0x24: {  	s3 =	sadd.s32 $0x88, s3;
	s6 =	simm.s32 @!p1 $0x1082;
	[sflag:s4] =	ssyncset.s32 $0xFFFFF086  }
0x25: {  	[simem:s6], [sflag:s4] =	dma.local [hbm:s3], $0xF7A  }
0x26: {  	[smem:$0x3F9F] =	sst s1;
	(tag) =	ssettag s2;
	_ =	strace s9  }
0x27: {  	s1 =	sld [smem:$0x3FAF]  }
0x28: {  	s2 =	sld [smem:$0x3FB0]  }
0x29: {  	s4 =	sld [smem:$0x3FB2]  }
0x2a: {  	p0 =	seq.s32 s5, $0x0;
	s5 =	sld [smem:$0x3FB3]  }
0x2b: {  	s6 =	sld [smem:$0x3FB4]  }
0x2c: {  	s7 =	sld [smem:$0x3FB5]  }
0x2d: {  	s3 =	simm.s32 $0x108;
	s8 =	sld [smem:$0x3FB6]  }
0x2e: {  	s3 =	simm.s32 @!p0 $0x1082;
	s9 =	sld [smem:$0x3FB7]  }
0x2f: {  	lr =	sadd.s32 s0, s3;
	s0 =	sld [smem:$0x3FAE]  }
0x30: {  	s3 =	sld [smem:$0x3FB1]  }
0x31: {  	[smem:$0x3FBA] =	sst s10  }
0x32: {  	s10 =	sld [smem:$0x3FB8];
	_ =	sdelay $0x3  }
0x33: {  	p0 =	seq.s32 s10, $0x1;
	s10 =	sld [smem:$0x3FBA];
	_ =	sdelay $0x3  }
0x34: {  	[smem:$0x3FBA] =	sst s10  }
0x35: {  	s10 =	sld [smem:$0x3FB9];
	_ =	sdelay $0x3  }
0x36: {  	p1 =	seq.s32 s10, $0x1;
	s10 =	sld [smem:$0x3FBA];
	_ =	sdelay $0x3  }
0x37: {  	[smem:$0x3FBA] =	sst s10  }
0x38: {  	s10 =	sld [smem:$0x3FBB]  }
0x39: {  	_ = 	snop;
	(pc) =	sbr.ind lr, $3  }
0x3a: {  	_ = 	snop  }
0x3b: {  	_ = 	snop  }
0x3c: {  	p2 =	seq.s32 s10, $0x1;
	s10 =	sld [smem:$0x3FBA]  }
0x3d: {  	_ =	shalt  }
0x3e: {  	_ =	shalt  }
0x3f: {  	_ =	shalt  }
0x40: {  	_ =	shalt  }
0x41: {  	_ =	shalt  }
0x42: {  	_ =	shalt  }
0x43: {  	_ =	shalt  }
0x44: {  	_ =	shalt  }
0x45: {  	_ =	shalt  }
0x46: {  	_ =	shalt  }
0x47: {  	_ =	shalt  }
0x48: {  	_ =	shalt  }
0x49: {  	_ =	shalt  }
0x4a: {  	_ =	shalt  }
0x4b: {  	_ =	shalt  }
0x4c: {  	_ =	shalt  }
0x4d: {  	_ =	shalt  }
0x4e: {  	_ =	shalt  }
0x4f: {  	_ =	shalt  }
0x50: {  	_ =	shalt  }
0x51: {  	_ =	shalt  }
0x52: {  	_ =	shalt  }
0x53: {  	_ =	shalt  }
0x54: {  	_ =	shalt  }
0x55: {  	_ =	shalt  }
0x56: {  	_ =	shalt  }
0x57: {  	_ =	shalt  }
0x58: {  	_ =	shalt  }
0x59: {  	_ =	shalt  }
0x5a: {  	_ =	shalt  }
0x5b: {  	_ =	shalt  }
0x5c: {  	_ =	shalt  }
0x5d: {  	_ =	shalt  }
0x5e: {  	_ =	shalt  }
0x5f: {  	_ =	shalt  }
0x60: {  	_ =	shalt  }
0x61: {  	_ =	shalt  }
0x62: {  	_ =	shalt  }
0x63: {  	_ =	shalt  }
0x64: {  	_ =	shalt  }
0x65: {  	_ =	shalt  }
0x66: {  	_ =	shalt  }
0x67: {  	_ =	shalt  }
0x68: {  	_ =	shalt  }
0x69: {  	_ =	shalt  }
0x6a: {  	_ =	shalt  }
0x6b: {  	_ =	shalt  }
0x6c: {  	_ =	shalt  }
0x6d: {  	_ =	shalt  }
0x6e: {  	_ =	shalt  }
0x6f: {  	_ =	shalt  }
0x70: {  	_ =	shalt  }
0x71: {  	_ =	shalt  }
0x72: {  	_ =	shalt  }
0x73: {  	_ =	shalt  }
0x74: {  	_ =	shalt  }
0x75: {  	_ =	shalt  }
0x76: {  	_ =	shalt  }
0x77: {  	_ =	shalt  }
0x78: {  	_ =	shalt  }
0x79: {  	_ =	shalt  }
0x7a: {  	_ =	shalt  }
0x7b: {  	_ =	shalt  }
0x7c: {  	_ =	shalt  }
0x7d: {  	_ =	shalt  }
0x7e: {  	_ =	shalt  }
0x7f: {  	_ =	shalt  }
0x80: {  	_ =	shalt  }
0x81: {  	_ =	shalt  }
0x82: {  	_ =	shalt  }
0x83: {  	_ =	shalt  }
0x84: {  	_ =	shalt  }
0x85: {  	_ =	shalt  }
0x86: {  	_ =	shalt  }
0x87: {  	_ =	shalt  }
.Lfunc_end0:
.L_simem_size_0:
called_computation.1_lowered:
.L_overlay_start_0:
0x88: {  	s2 =	sld [smem:$0x3FD9]  }
0x89: {  	s3 =	sld [smem:$0x3FFE];
	_ =	sdelay $0x1  }
0x8a: {  	s1 =	srdreg.scid  }
0x8b: {  	s0 =	sand.u32 $0x1, s1  }
0x8c: {  	s17 =	sshll.u32 s0, $0xA;
	s2 =	sadd.s32 s3, s2  }
0x8d: {  	s2 =	sadd.s32 s2, s17  }
0x8e: {  	[smem:$0x3FC6] =	sst s2  }
0x8f: {  	_ = 	snop  }
0x90: {  	s2 =	sld [smem:$0x3FD0];
	(tm) =	ssettm $0x1  }
0x91: {  	s18 =	sld [smem:$0x3FFB];
	_ =	sdelay $0x3  }
0x92: {  	_ =	strace s18  }
0x93: {  	s3 =	sld [smem:$0x3FFC];
	_ =	sdelay $0x3  }
0x94: {  	_ =	strace s3  }
0x95: {  	s3 =	sld [smem:$0x3FFD];
	_ =	sdelay $0x3  }
0x96: {  	_ =	strace s3  }
0x97: {  	_ =	strace $0x8FFFFFFF  }
0x98: {  	s19 =	sld [smem:$0x3FDB];
	_ =	sdelay $0x1  }
0x99: {  	s4 =	simm.s32 $_scs_section_size  }
0x9a: {  	s5 =	simm.s32 $_size__tile_overlayer_lowered;
	s6 =	simm.s32 $_tile_overlayer_lowered  }
0x9b: {  	s22 =	simm.s32 $0x1BFF;
	s21 =	sshll.u32 s6, $0x1;
	s3 =	sadd.s32 s4, s19  }
0x9c: {  	s7 =	simm.s32 $0x0;
	s20 =	sshll.u32 s5, $0x1;
	s5 =	sadd.s32 s21, s3  }
0x9d: {  	[timem:s7], [sflag:s22] =	dma.local [hbm:s5], s20  }
0x9e: {  	_ =	swait.ge [sflag:s22], s20  }
0x9f: {  	s4 =	ssub.s32 $0x0, s20;
	[sflag:s22] =	ssyncset.done $0x0  }
0xa0: {  	[sflag:s22] =	ssyncadd.s32 s4;
	_ =	sdelay $0x1  }
0xa1: {  	s23 =	simm.s32 $0x1B8B  }
0xa2: {  	_ =	swait.ge [sflag:s23], $0x1  }
0xa3: {  	[sflag:s23] =	ssyncset.done $0x0  }
0xa4: {  	s25 =	simm.s32 $0x1B8E;
	s24 =	sld [smem:$0x3FFE];
	[sflag:s23] =	ssyncadd.s32 $0xFFFFFFFF  }
0xa5: {  	s26 =	simm.s32 $execute0_lowered;
	[smem:$0x3FD2] =	sst s25  }
0xa6: {  	s5 =	sshll.u32 s26, $0x1;
	_ =	strace $0x80000049;
	[dreg:$0x1] =	wrdreg $0xFFFFFFFF  }
0xa7: {  	s28 =	simm.s32 $_size_execute0_lowered;
	s3 =	sadd.s32 s3, s5;
	[dreg:$0x0] =	wrdreg $0x0  }
0xa8: {  	s5 =	sshll.u32 s28, $0x1;
	[dreg:$0x2] =	wrdreg s3  }
0xa9: {  	[dreg:$0x3] =	wrdreg s5  }
0xaa: {  	[dreg:$0x4] =	wrdreg $0xC0  }
0xab: {  	_ =	task [dreg:s7], $0x5FFFF  }
0xac: {  	[dreg:$0x1] =	wrdreg $0xFFFFFFFF  }
0xad: {  	[dreg:$0x0] =	wrdreg $0x60  }
0xae: {  	[dreg:$0x2] =	wrdreg s24  }
0xaf: {  	[dreg:$0x3] =	wrdreg s2  }
0xb0: {  	[dreg:$0x4] =	wrdreg $0x9  }
0xb1: {  	_ =	task.clear_ibuf [dreg:s7], $0x5FFFF;
	_ =	strace $0x90000049  }
0xb2: {  	s29 =	simm.s32 $0x9;
	_ =	strace $0x8000004B  }
0xb3: {  	_ =	swait.ge [sflag:s29], $0x1  }
0xb4: {  	[sflag:s29] =	ssyncadd.s32 $0xFFFFFFFF  }
0xb5: {  	_ =	strace $0x9000004B  }
0xb6: {  	_ =	sfence  }
0xb7: {  	s30 =	sld [smem:$0x0];
	_ =	sdelay $0x2  }
0xb8: {  	s31 =	sshll.u32 s1, $0xD;
	s1 =	sshrl.u32 s1, $0x2  }
0xb9: {  	s3 =	sand.u32 $0x4000, s31;
	s1 =	sadd.s32 s1, s30  }
0xba: {  	s0 =	sor.u32 s3, s0;
	s1 =	sshll.u32 s1, $0x11  }
0xbb: {  	s0 =	sor.u32 s1, s0  }
0xbc: {  	s0 =	sadd.s32 $0x8F2B, s0  }
0xbd: {  	[sflag:s0] =	ssyncadd.remote.s32 $0x1  }
0xbe: {  	_ =	sfence.sel $0xFFFF  }
0xbf: {  	[dreg:$0x0] =	wrdreg $0xFFFFFFFF;
	(pc) =	sbr.abs _section_cstart, $3  }
0xc0: {  	[dreg:$0x1] =	wrdreg $0xFFFFFFFF  }
0xc1: {  	_ =	task.clear_ibuf [dreg:s7], $0x2FFFF;
	_ =	strace $0x9FFFFFFF  }
0xc2: {  	(tm) =	ssettm $0x7FFFFFFF  }
0xc3: {  	_ =	shalt  }
tec
execute0_lowered:
.L_overlay_start_1:
0x0: {  	(tag) =	ssettag $0x1  }
0x1: {  	s1 =	srdreg.scid  }
0x2: {  	s0 =	stileid.u32;
	s9 =	rddreg [dreg:$0x0]  }
0x3: {  	s3 =	rddreg [dreg:$0x1];
	s6 =	sand.u32 $0x1, s1;
	s30 =	sshll.u32 s0, $0x1  }
0x4: {  	s2 =	simm.s32 $0x0;
	s1 =	rddreg [dreg:$0x2];
	s7 =	sor.u32 s6, s30  }
0x5: {  	s8 =	simm.s32 $0x1;
	[smem:$0x7FF] =	sst s2;
	s4 =	smul.u32 $0x14, s7  }
0x6: {  	s5 =	sadd.s32 $0xC00, s9;
	_ =	strace $0x8000004A;
	s11 =	ssub.s32 $0x2, s6  }
0x7: {  	s6 =	simm.s32 $0xA0;
	s4 =	sadd.s32 s3, s4;
	s3 =	simm.s32 $0x2  }
0x8: {  	[tilespmem:s2], [sflag:$0x2] =	stream.linear.gather [hbm4b:s4+s2], $0xA0, $0x38;
	[tilespmem:$0x5100] =	vst v63  }
0x9: {  	s10 =	smul.u32 $0xA00, s7;
	s12 =	sshrl.u32 s11, $0x1;
	_ =	swait.ge [sflag:s3], $0xA0  }
0xa: {  	s7 =	simm.s32 $0x100;
	s31 =	ssub.s32 s11, s12;
	[sflag:s3] =	ssyncset.done $0x0  }
0xb: {  	s9 =	sadd.s32 s10, s9;
	s10 =	smax.u32 s31, $0x1;
	[sflag:s3] =	ssyncadd.s32 $0xFFFFFF60  }
0xc: {  	[tilespmem:s7], [sflag:$0x1] =	stream.indirect.gather [hbm4b:s5+s6], $0x80, s2, s6, $0xb8;
	[tilespmem:$0x5100] =	vst v63  }
0xd: {  	p0 =	sne.s32 s10, $0x1;
	_ =	swait.ge [sflag:s8], $0x5000  }
.Ltmp0:
0xe: {  	[sflag:s8] =	ssyncset.done $0x0;
	(pc) =	sbr.rel @!p0 .LBB2_2-.Ltmp0, $4  }
0xf: {  	s9 =	sadd.s32 $0x14C00, s9;
	[sflag:s8] =	ssyncadd.s32 $0xFFFFB000  }
0x10: {  	[hbm4b:s9+s2] =	stream.linear.scatter [tilespmem:s7], [sflag:$0x2], $0x5000, $0x38;
	[tilespmem:$0x5100] =	vst v63  }
0x11: {  	_ =	swait.ge [sflag:s3], $0x5000  }
0x12: {  	s10 =	sadd.s32 $0xFFFFFFFF, s10;
	[sflag:s3] =	ssyncset.done $0x0  }
.LBB2_1:
0x13: {  	p0 =	sne.s32 s10, $0x1;
	s10 =	sadd.s32 $0xFFFFFFFF, s10;
	[sflag:s3] =	ssyncadd.s32 $0xFFFFB000  }
0x14: {  	[tilespmem:s2], [sflag:$0x2] =	stream.linear.gather [hbm4b:s4+s2], $0xA0, $0x38;
	[tilespmem:$0x5100] =	vst v63  }
0x15: {  	_ =	swait.ge [sflag:s3], $0xA0  }
0x16: {  	[sflag:s3] =	ssyncset.done $0x0  }
0x17: {  	[sflag:s3] =	ssyncadd.s32 $0xFFFFFF60  }
0x18: {  	[tilespmem:s7], [sflag:$0x1] =	stream.indirect.gather [hbm4b:s5+s6], $0x80, s2, s6, $0xb8;
	[tilespmem:$0x5100] =	vst v63  }
0x19: {  	_ =	swait.ge [sflag:s8], $0x5000  }
.Ltmp1:
0x1a: {  	[sflag:s8] =	ssyncset.done $0x0;
	(pc) =	sbr.rel @p0 .LBB2_1-.Ltmp1, $4  }
0x1b: {  	[sflag:s8] =	ssyncadd.s32 $0xFFFFB000  }
0x1c: {  	[hbm4b:s9+s2] =	stream.linear.scatter [tilespmem:s7], [sflag:$0x2], $0x5000, $0x38;
	[tilespmem:$0x5100] =	vst v63  }
0x1d: {  	_ =	swait.ge [sflag:s3], $0x5000  }
0x1e: {  	[sflag:s3] =	ssyncset.done $0x0  }
.LBB2_2:
0x1f: {  	[sflag:s3] =	ssyncadd.s32 $0xFFFFB000  }
0x20: {  	_ =	sfence.sel $0x180000  }
0x21: {  	[bflag:$0x0] =	sbarrier.arrive $0xFFFF  }
0x22: {  	p0 =	sne.s32 s0, $0x0;
	_ =	strace $0x9000004A  }
0x23: {  	s0 =	sadd.s32 @!p0 $0x100000, s1;
	[bflag:$0x2] =	sbarrier.arrive $0xFFFF  }
0x24: {  	[sflag:s0] =	ssyncadd.tile.s32 @!p0 $0x1;
	_ =	shalt  }
.Lfunc_end2:
_tile_overlayer_lowered:
.L_overlay_start_2:
0x25: {  	(tag) =	ssettag $0x2  }
0x26: {  	s0 =	rddreg [dreg:$0x0];
	s2 =	stileid.u32  }
0x27: {  	s1 =	rddreg [dreg:$0x1];
	p0 =	sne.s32 s2, $0x0  }
0x28: {  	s3 =	rddreg [dreg:$0x2];
	[bflag:$0x3] =	sbarrier.arrive $0xFFFF;
	s2 =	simm.s32 @!p0 $0x1C02  }
0x29: {  	[timem:s3], [sflag:s2] =	dma.local @!p0 [hbm:s0], s1  }
0x2a: {  	s0 =	simm.s32 @!p0 $0x2  }
0x2b: {  	_ =	swait.ge @!p0 [sflag:s0], s1  }
0x2c: {  	s1 =	ssub.s32 @!p0 $0x0, s1;
	[sflag:s0] =	ssyncset.done @!p0 $0x0  }
0x2d: {  	[sflag:s0] =	ssyncadd.s32 @!p0 s1  }
0x2e: {  	[bflag:$0x3] =	sbarrier.arrive $0xFFFF  }
0x2f: {  	_ =	shalt  }

// kernel: kernel.7.cloned.1.call-start
scs
__scs_entry_jumppad:
0x0: {  	(pc) =	sbr.rel $0x88, $3  }
0x1: {  	(tag) =	ssettag $0x0;
	lr =	simm.s32 $0x1  }
0x2: {  	[smem:$0x3F9F] =	sst lr;
	_ =	strace $0xD0000000  }
0x3: {  	_ = 	snop  }
0x4: {  	_ = 	snop  }
0x5: {  	_ = 	snop  }
0x6: {  	_ = 	snop  }
0x7: {  	_ = 	snop  }
__scs_overlays_trampoline_lowered:
0x8: {  	[smem:$0x3FAE] =	sst s0  }
0x9: {  	[smem:$0x3FAF] =	sst s1  }
0xa: {  	[smem:$0x3FB0] =	sst s2  }
0xb: {  	[smem:$0x3FB1] =	sst s3  }
0xc: {  	[smem:$0x3FB2] =	sst s4  }
0xd: {  	[smem:$0x3FB3] =	sst s5  }
0xe: {  	[smem:$0x3FB4] =	sst s6  }
0xf: {  	[smem:$0x3FB5] =	sst s7  }
0x10: {  	[smem:$0x3FB6] =	sst s8  }
0x11: {  	[smem:$0x3FB7] =	sst s9;
	s0 =	simm.s32 @!p0 $0x0  }
0x12: {  	s1 =	sld [smem:$0x3F9D];
	s0 =	simm.s32 @p0 $0x1  }
0x13: {  	[smem:$0x3FB8] =	sst s0;
	s0 =	simm.s32 @!p1 $0x0  }
0x14: {  	s2 =	sld [smem:$0x3F9C];
	s0 =	simm.s32 @p1 $0x1  }
0x15: {  	[smem:$0x3FB9] =	sst s0;
	s0 =	simm.s32 @!p2 $0x0  }
0x16: {  	s3 =	sld [smem:$0x3FDB];
	s0 =	simm.s32 @p2 $0x1  }
0x17: {  	s4 =	simm.s32 $0x1BF5;
	[smem:$0x3FBB] =	sst s0  }
0x18: {  	s0 =	sld [smem:$0x3F9E];
	_ =	swait.ge [sflag:s4], $0x0  }
0x19: {  	s7 =	sld [smem:$0x3F9F]  }
0x1a: {  	s8 =	sadd.s32 $0xFFFFE003, lr  }
0x1b: {  	s9 =	sadd.s32 $0xFFFFFEF7, lr;
	s5 =	simm.s32 $0xFFFFFFFF;
	p2 =	slt.u32 s8, $0xFFFFF086  }
0x1c: {  	p1 =	slt.u32 s9, $0xF7A;
	s5 =	simm.s32 @!p2 $0x0  }
0x1d: {  	s5 =	simm.s32 @p1 $0x1;
	p0 =	seq.s32 s7, s2  }
0x1e: {  	s7 =	smul.u32 @!p0 $0xF7A, s2;
	p2 =	seq.s32 @!p0 s5, $0x0  }
0x1f: {  	s9 =	smul.u32 $0xF7A, s1;
	s8 =	simm.s32 @!p0 $0x1BF5;
	p2 =	por !p2, p0  }
0x20: {  	[sflag:s8] =	ssyncset.s32 @!p0 $0xFFFFF086;
	s6 =	sadd.s32 @!p0 s3, s7;
	s7 =	simm.s32 @!p0 $0x108  }
0x21: {  	s3 =	sadd.s32 s3, s9;
	s6 =	sadd.s32 @!p0 $0x88, s6;
	s7 =	simm.s32 @p2 $0x1082  }
0x22: {  	[simem:s7], [sflag:s8] =	dma.local @!p0 [hbm:s6], $0xF7A  }
0x23: {  	s9 =	sor.u32 $0xD0000000, s2;
	s6 =	simm.s32 $0x108;
	_ =	swait.ge @!p0 [sflag:s8], $0x0  }
0x24: {  	s3 =	sadd.s32 $0x88, s3;
	s6 =	simm.s32 @!p1 $0x1082;
	[sflag:s4] =	ssyncset.s32 $0xFFFFF086  }
0x25: {  	[simem:s6], [sflag:s4] =	dma.local [hbm:s3], $0xF7A  }
0x26: {  	[smem:$0x3F9F] =	sst s1;
	(tag) =	ssettag s2;
	_ =	strace s9  }
0x27: {  	s1 =	sld [smem:$0x3FAF]  }
0x28: {  	s2 =	sld [smem:$0x3FB0]  }
0x29: {  	s4 =	sld [smem:$0x3FB2]  }
0x2a: {  	p0 =	seq.s32 s5, $0x0;
	s5 =	sld [smem:$0x3FB3]  }
0x2b: {  	s6 =	sld [smem:$0x3FB4]  }
0x2c: {  	s7 =	sld [smem:$0x3FB5]  }
0x2d: {  	s3 =	simm.s32 $0x108;
	s8 =	sld [smem:$0x3FB6]  }
0x2e: {  	s3 =	simm.s32 @!p0 $0x1082;
	s9 =	sld [smem:$0x3FB7]  }
0x2f: {  	lr =	sadd.s32 s0, s3;
	s0 =	sld [smem:$0x3FAE]  }
0x30: {  	s3 =	sld [smem:$0x3FB1]  }
0x31: {  	[smem:$0x3FBA] =	sst s10  }
0x32: {  	s10 =	sld [smem:$0x3FB8];
	_ =	sdelay $0x3  }
0x33: {  	p0 =	seq.s32 s10, $0x1;
	s10 =	sld [smem:$0x3FBA];
	_ =	sdelay $0x3  }
0x34: {  	[smem:$0x3FBA] =	sst s10  }
0x35: {  	s10 =	sld [smem:$0x3FB9];
	_ =	sdelay $0x3  }
0x36: {  	p1 =	seq.s32 s10, $0x1;
	s10 =	sld [smem:$0x3FBA];
	_ =	sdelay $0x3  }
0x37: {  	[smem:$0x3FBA] =	sst s10  }
0x38: {  	s10 =	sld [smem:$0x3FBB]  }
0x39: {  	_ = 	snop;
	(pc) =	sbr.ind lr, $3  }
0x3a: {  	_ = 	snop  }
0x3b: {  	_ = 	snop  }
0x3c: {  	p2 =	seq.s32 s10, $0x1;
	s10 =	sld [smem:$0x3FBA]  }
0x3d: {  	_ =	shalt  }
0x3e: {  	_ =	shalt  }
0x3f: {  	_ =	shalt  }
0x40: {  	_ =	shalt  }
0x41: {  	_ =	shalt  }
0x42: {  	_ =	shalt  }
0x43: {  	_ =	shalt  }
0x44: {  	_ =	shalt  }
0x45: {  	_ =	shalt  }
0x46: {  	_ =	shalt  }
0x47: {  	_ =	shalt  }
0x48: {  	_ =	shalt  }
0x49: {  	_ =	shalt  }
0x4a: {  	_ =	shalt  }
0x4b: {  	_ =	shalt  }
0x4c: {  	_ =	shalt  }
0x4d: {  	_ =	shalt  }
0x4e: {  	_ =	shalt  }
0x4f: {  	_ =	shalt  }
0x50: {  	_ =	shalt  }
0x51: {  	_ =	shalt  }
0x52: {  	_ =	shalt  }
0x53: {  	_ =	shalt  }
0x54: {  	_ =	shalt  }
0x55: {  	_ =	shalt  }
0x56: {  	_ =	shalt  }
0x57: {  	_ =	shalt  }
0x58: {  	_ =	shalt  }
0x59: {  	_ =	shalt  }
0x5a: {  	_ =	shalt  }
0x5b: {  	_ =	shalt  }
0x5c: {  	_ =	shalt  }
0x5d: {  	_ =	shalt  }
0x5e: {  	_ =	shalt  }
0x5f: {  	_ =	shalt  }
0x60: {  	_ =	shalt  }
0x61: {  	_ =	shalt  }
0x62: {  	_ =	shalt  }
0x63: {  	_ =	shalt  }
0x64: {  	_ =	shalt  }
0x65: {  	_ =	shalt  }
0x66: {  	_ =	shalt  }
0x67: {  	_ =	shalt  }
0x68: {  	_ =	shalt  }
0x69: {  	_ =	shalt  }
0x6a: {  	_ =	shalt  }
0x6b: {  	_ =	shalt  }
0x6c: {  	_ =	shalt  }
0x6d: {  	_ =	shalt  }
0x6e: {  	_ =	shalt  }
0x6f: {  	_ =	shalt  }
0x70: {  	_ =	shalt  }
0x71: {  	_ =	shalt  }
0x72: {  	_ =	shalt  }
0x73: {  	_ =	shalt  }
0x74: {  	_ =	shalt  }
0x75: {  	_ =	shalt  }
0x76: {  	_ =	shalt  }
0x77: {  	_ =	shalt  }
0x78: {  	_ =	shalt  }
0x79: {  	_ =	shalt  }
0x7a: {  	_ =	shalt  }
0x7b: {  	_ =	shalt  }
0x7c: {  	_ =	shalt  }
0x7d: {  	_ =	shalt  }
0x7e: {  	_ =	shalt  }
0x7f: {  	_ =	shalt  }
0x80: {  	_ =	shalt  }
0x81: {  	_ =	shalt  }
0x82: {  	_ =	shalt  }
0x83: {  	_ =	shalt  }
0x84: {  	_ =	shalt  }
0x85: {  	_ =	shalt  }
0x86: {  	_ =	shalt  }
0x87: {  	_ =	shalt  }
.Lfunc_end0:
.L_simem_size_0:
called_computation_lowered:
.L_overlay_start_0:
0x88: {  	s2 =	sld [smem:$0x3FD9]  }
0x89: {  	s3 =	sld [smem:$0x3FFE];
	_ =	sdelay $0x1  }
0x8a: {  	s1 =	srdreg.scid  }
0x8b: {  	s0 =	sand.u32 $0x1, s1  }
0x8c: {  	s17 =	sshll.u32 s0, $0xA;
	s2 =	sadd.s32 s3, s2  }
0x8d: {  	s2 =	sadd.s32 s2, s17  }
0x8e: {  	[smem:$0x3FC6] =	sst s2  }
0x8f: {  	_ = 	snop  }
0x90: {  	s2 =	sld [smem:$0x3FD0];
	(tm) =	ssettm $0x1  }
0x91: {  	s18 =	sld [smem:$0x3FFB];
	_ =	sdelay $0x3  }
0x92: {  	_ =	strace s18  }
0x93: {  	s3 =	sld [smem:$0x3FFC];
	_ =	sdelay $0x3  }
0x94: {  	_ =	strace s3  }
0x95: {  	s3 =	sld [smem:$0x3FFD];
	_ =	sdelay $0x3  }
0x96: {  	_ =	strace s3  }
0x97: {  	_ =	strace $0x8FFFFFFF  }
0x98: {  	s19 =	sld [smem:$0x3FDB];
	_ =	sdelay $0x1  }
0x99: {  	s4 =	simm.s32 $_scs_section_size  }
0x9a: {  	s5 =	simm.s32 $_size__tile_overlayer_lowered;
	s6 =	simm.s32 $_tile_overlayer_lowered  }
0x9b: {  	s22 =	simm.s32 $0x1BFF;
	s21 =	sshll.u32 s6, $0x1;
	s3 =	sadd.s32 s4, s19  }
0x9c: {  	s7 =	simm.s32 $0x0;
	s20 =	sshll.u32 s5, $0x1;
	s5 =	sadd.s32 s21, s3  }
0x9d: {  	[timem:s7], [sflag:s22] =	dma.local [hbm:s5], s20  }
0x9e: {  	_ =	swait.ge [sflag:s22], s20  }
0x9f: {  	s4 =	ssub.s32 $0x0, s20;
	[sflag:s22] =	ssyncset.done $0x0  }
0xa0: {  	[sflag:s22] =	ssyncadd.s32 s4;
	_ =	sdelay $0x1  }
0xa1: {  	s23 =	simm.s32 $0x1B8B  }
0xa2: {  	_ =	swait.ge [sflag:s23], $0x1  }
0xa3: {  	[sflag:s23] =	ssyncset.done $0x0  }
0xa4: {  	s25 =	simm.s32 $0x1B8E;
	s24 =	sld [smem:$0x3FFE];
	[sflag:s23] =	ssyncadd.s32 $0xFFFFFFFF  }
0xa5: {  	s26 =	simm.s32 $execute0_lowered;
	[smem:$0x3FD2] =	sst s25  }
0xa6: {  	s5 =	sshll.u32 s26, $0x1;
	_ =	strace $0x80000046;
	[dreg:$0x1] =	wrdreg $0xFFFFFFFF  }
0xa7: {  	s28 =	simm.s32 $_size_execute0_lowered;
	s3 =	sadd.s32 s3, s5;
	[dreg:$0x0] =	wrdreg $0x0  }
0xa8: {  	s5 =	sshll.u32 s28, $0x1;
	[dreg:$0x2] =	wrdreg s3  }
0xa9: {  	[dreg:$0x3] =	wrdreg s5  }
0xaa: {  	[dreg:$0x4] =	wrdreg $0xC0  }
0xab: {  	_ =	task [dreg:s7], $0x5FFFF  }
0xac: {  	[dreg:$0x1] =	wrdreg $0xFFFFFFFF  }
0xad: {  	[dreg:$0x0] =	wrdreg $0x60  }
0xae: {  	[dreg:$0x2] =	wrdreg s24  }
0xaf: {  	[dreg:$0x3] =	wrdreg s2  }
0xb0: {  	[dreg:$0x4] =	wrdreg $0x9  }
0xb1: {  	_ =	task.clear_ibuf [dreg:s7], $0x5FFFF;
	_ =	strace $0x90000046  }
0xb2: {  	s29 =	simm.s32 $0x9;
	_ =	strace $0x80000048  }
0xb3: {  	_ =	swait.ge [sflag:s29], $0x1  }
0xb4: {  	[sflag:s29] =	ssyncadd.s32 $0xFFFFFFFF  }
0xb5: {  	_ =	strace $0x90000048  }
0xb6: {  	_ =	sfence  }
0xb7: {  	s30 =	sld [smem:$0x0];
	_ =	sdelay $0x2  }
0xb8: {  	s31 =	sshll.u32 s1, $0xD;
	s1 =	sshrl.u32 s1, $0x2  }
0xb9: {  	s3 =	sand.u32 $0x4000, s31;
	s1 =	sadd.s32 s1, s30  }
0xba: {  	s0 =	sor.u32 s3, s0;
	s1 =	sshll.u32 s1, $0x11  }
0xbb: {  	s0 =	sor.u32 s1, s0  }
0xbc: {  	s0 =	sadd.s32 $0x8F2B, s0  }
0xbd: {  	[sflag:s0] =	ssyncadd.remote.s32 $0x1  }
0xbe: {  	_ =	sfence.sel $0xFFFF  }
0xbf: {  	[dreg:$0x0] =	wrdreg $0xFFFFFFFF;
	(pc) =	sbr.abs _section_cstart, $3  }
0xc0: {  	[dreg:$0x1] =	wrdreg $0xFFFFFFFF  }
0xc1: {  	_ =	task.clear_ibuf [dreg:s7], $0x2FFFF;
	_ =	strace $0x9FFFFFFF  }
0xc2: {  	(tm) =	ssettm $0x7FFFFFFF  }
0xc3: {  	_ =	shalt  }
tec
execute0_lowered:
.L_overlay_start_1:
0x0: {  	(tag) =	ssettag $0x1  }
0x1: {  	s1 =	srdreg.scid;
	s0 =	stileid.u32  }
0x2: {  	s7 =	rddreg [dreg:$0x0];
	s5 =	sand.u32 $0x1, s1;
	s4 =	sshll.u32 s0, $0x1  }
0x3: {  	s3 =	rddreg [dreg:$0x1];
	s2 =	simm.s32 $0x0;
	s4 =	sor.u32 s5, s4  }
0x4: {  	[smem:$0x7FF] =	sst s2;
	s6 =	smul.u32 $0x14, s4  }
0x5: {  	s1 =	rddreg [dreg:$0x2];
	_ =	strace $0x80000047;
	s9 =	ssub.s32 $0x2, s5  }
0x6: {  	s8 =	smul.u32 $0xA00, s4;
	s4 =	simm.s32 $0x2;
	s3 =	sadd.s32 s3, s6  }
0x7: {  	[tilespmem:s2], [sflag:$0x2] =	stream.linear.gather [hbm4b:s3+s2], $0xA0, $0x38;
	[tilespmem:$0x5100] =	vst v63  }
0x8: {  	s31 =	sshrl.u32 s9, $0x1;
	s30 =	sadd.s32 s8, s7;
	_ =	swait.ge [sflag:s4], $0xA0  }
0x9: {  	s6 =	simm.s32 $0x100;
	s8 =	ssub.s32 s9, s31;
	[sflag:s4] =	ssyncset.done $0x0  }
0xa: {  	s5 =	sadd.s32 $0xC00, s30;
	s10 =	smax.u32 s8, $0x1;
	[sflag:s4] =	ssyncadd.s32 $0xFFFFFF60  }
0xb: {  	[tilespmem:s6], [sflag:$0x2] =	stream.linear.gather [hbm4b:s5+s2], $0x5000, $0x38;
	[tilespmem:$0x5100] =	vst v63  }
0xc: {  	p0 =	sne.s32 s10, $0x1;
	_ =	swait.ge [sflag:s4], $0x5000  }
.Ltmp0:
0xd: {  	s7 =	sadd.s32 $0x14C00, s7;
	[sflag:s4] =	ssyncset.done $0x0;
	(pc) =	sbr.rel @!p0 .LBB2_2-.Ltmp0, $4  }
0xe: {  	s9 =	simm.s32 $0xA0;
	s8 =	simm.s32 $0x1;
	[sflag:s4] =	ssyncadd.s32 $0xFFFFB000  }
0xf: {  	[hbm4b:s7+s9] =	stream.indirect.scatter [tilespmem:s6], [sflag:$0x1], $0x80, s2, s9, $0xb8;
	[tilespmem:$0x5100] =	vst v63  }
0x10: {  	_ =	swait.ge [sflag:s8], $0x5000  }
0x11: {  	s10 =	sadd.s32 $0xFFFFFFFF, s10;
	[sflag:s8] =	ssyncset.done $0x0  }
.LBB2_1:
0x12: {  	p0 =	sne.s32 s10, $0x1;
	s10 =	sadd.s32 $0xFFFFFFFF, s10;
	[sflag:s8] =	ssyncadd.s32 $0xFFFFB000  }
0x13: {  	[tilespmem:s2], [sflag:$0x2] =	stream.linear.gather [hbm4b:s3+s2], $0xA0, $0x38;
	[tilespmem:$0x5100] =	vst v63  }
0x14: {  	_ =	swait.ge [sflag:s4], $0xA0  }
0x15: {  	[sflag:s4] =	ssyncset.done $0x0  }
0x16: {  	[sflag:s4] =	ssyncadd.s32 $0xFFFFFF60  }
0x17: {  	[tilespmem:s6], [sflag:$0x2] =	stream.linear.gather [hbm4b:s5+s2], $0x5000, $0x38;
	[tilespmem:$0x5100] =	vst v63  }
0x18: {  	_ =	swait.ge [sflag:s4], $0x5000  }
.Ltmp1:
0x19: {  	[sflag:s4] =	ssyncset.done $0x0;
	(pc) =	sbr.rel @p0 .LBB2_1-.Ltmp1, $4  }
0x1a: {  	[sflag:s4] =	ssyncadd.s32 $0xFFFFB000  }
0x1b: {  	[hbm4b:s7+s9] =	stream.indirect.scatter [tilespmem:s6], [sflag:$0x1], $0x80, s2, s9, $0xb8;
	[tilespmem:$0x5100] =	vst v63  }
0x1c: {  	_ =	swait.ge [sflag:s8], $0x5000  }
0x1d: {  	[sflag:s8] =	ssyncset.done $0x0  }
.LBB2_2:
0x1e: {  	[sflag:s8] =	ssyncadd.s32 $0xFFFFB000  }
0x1f: {  	_ =	sfence.sel $0x180000  }
0x20: {  	[bflag:$0x0] =	sbarrier.arrive $0xFFFF  }
0x21: {  	p0 =	sne.s32 s0, $0x0;
	_ =	strace $0x90000047  }
0x22: {  	s0 =	sadd.s32 @!p0 $0x100000, s1;
	[bflag:$0x2] =	sbarrier.arrive $0xFFFF  }
0x23: {  	[sflag:s0] =	ssyncadd.tile.s32 @!p0 $0x1;
	_ =	shalt  }
.Lfunc_end2:
_tile_overlayer_lowered:
.L_overlay_start_2:
0x24: {  	(tag) =	ssettag $0x2  }
0x25: {  	s0 =	rddreg [dreg:$0x0];
	s2 =	stileid.u32  }
0x26: {  	s1 =	rddreg [dreg:$0x1];
	p0 =	sne.s32 s2, $0x0  }
0x27: {  	s3 =	rddreg [dreg:$0x2];
	[bflag:$0x3] =	sbarrier.arrive $0xFFFF;
	s2 =	simm.s32 @!p0 $0x1C02  }
0x28: {  	[timem:s3], [sflag:s2] =	dma.local @!p0 [hbm:s0], s1  }
0x29: {  	s0 =	simm.s32 @!p0 $0x2  }
0x2a: {  	_ =	swait.ge @!p0 [sflag:s0], s1  }
0x2b: {  	s1 =	ssub.s32 @!p0 $0x0, s1;
	[sflag:s0] =	ssyncset.done @!p0 $0x0  }
0x2c: {  	[sflag:s0] =	ssyncadd.s32 @!p0 s1  }
0x2d: {  	[bflag:$0x3] =	sbarrier.arrive $0xFFFF  }
0x2e: {  	_ =	shalt  }

</sc_bundles>
